<compile_context>
chip_gen: v7x
topology: tpu7x:2x2x1
jax: 0.10.2.dev20260603
libtpu: 0.0.44.dev20260713+nightly
codegen_flags: <defaults>
</compile_context>

<pallas_src>
import jax
import jax.numpy as jnp
from jax import lax
from jax.experimental import pallas as pl
from jax.experimental.pallas import tpu as pltpu
from jax.experimental.pallas import tpu_sc as plsc

NUM_CORES = 2
NUM_SUBCORES = 16
NW = NUM_CORES * NUM_SUBCORES
LANES = 16
BATCH_SIZE = 16384
BPW = BATCH_SIZE // NW
GCH = 128
NCHUNK = BPW // GCH
KDIM = 32


def _body(uidx_hbm, iidx_hbm, u_hbm, i_hbm, mu_hbm, ub_hbm, ib_hbm, out_hbm,
          idx_u, idx_i, rows_u, rows_i, bu, bi, mu_v, out_v, sem):
    cid = lax.axis_index("c")
    sid = lax.axis_index("s")
    wid = cid * NUM_SUBCORES + sid
    base = wid * BPW

    pltpu.sync_copy(uidx_hbm.at[pl.ds(base, BPW)], idx_u)
    pltpu.sync_copy(iidx_hbm.at[pl.ds(base, BPW)], idx_i)
    pltpu.sync_copy(mu_hbm, mu_v)

    cps = []
    for g in range(NCHUNK):
        ixu = idx_u.at[pl.ds(g * GCH, GCH)]
        ixi = idx_i.at[pl.ds(g * GCH, GCH)]
        dst = pl.ds(g * GCH, GCH)
        cps.append(pltpu.async_copy(u_hbm.at[ixu], rows_u.at[dst], sem))
        cps.append(pltpu.async_copy(i_hbm.at[ixi], rows_i.at[dst], sem))
        cps.append(pltpu.async_copy(ub_hbm.at[ixu], bu.at[dst], sem))
        cps.append(pltpu.async_copy(ib_hbm.at[ixi], bi.at[dst], sem))
    for cp in cps:
        cp.wait()

    mu_vec = mu_v[...]
    lanes = lax.iota(jnp.int32, LANES)

    def chunk(c, carry):
        r_ids = c * LANES + lanes
        acc = mu_vec + plsc.load_gather(bu, [r_ids]) + plsc.load_gather(bi, [r_ids])
        for k in range(KDIM):
            ks = jnp.full((LANES,), k, jnp.int32)
            uk = plsc.load_gather(rows_u, [r_ids, ks])
            ik = plsc.load_gather(rows_i, [r_ids, ks])
            acc = acc + uk * ik
        plsc.store_scatter(out_v, [r_ids], acc)
        return carry

    lax.fori_loop(0, BPW // LANES, chunk, 0)

    pltpu.sync_copy(out_v, out_hbm.at[pl.ds(base, BPW)])


def kernel(user_indices, item_indices, U_embedding, I_embedding, mu, u_bias, i_bias):
    uidx = user_indices.astype(jnp.int32)
    iidx = item_indices.astype(jnp.int32)
    mu16 = jnp.broadcast_to(mu.astype(jnp.float32), (LANES,))
    ub = u_bias.reshape(-1)
    ib = i_bias.reshape(-1)

    f = pl.kernel(
        _body,
        out_type=jax.ShapeDtypeStruct((BATCH_SIZE,), jnp.float32),
        mesh=plsc.VectorSubcoreMesh(core_axis_name="c", subcore_axis_name="s"),
        compiler_params=pltpu.CompilerParams(
            needs_layout_passes=False, use_tc_tiling_on_sc=False),
        scratch_types=[
            pltpu.VMEM((BPW,), jnp.int32),
            pltpu.VMEM((BPW,), jnp.int32),
            pltpu.VMEM((BPW, KDIM), jnp.float32),
            pltpu.VMEM((BPW, KDIM), jnp.float32),
            pltpu.VMEM((BPW,), jnp.float32),
            pltpu.VMEM((BPW,), jnp.float32),
            pltpu.VMEM((LANES,), jnp.float32),
            pltpu.VMEM((BPW,), jnp.float32),
            pltpu.SemaphoreType.DMA,
        ],
    )
    return f(uidx, iidx, U_embedding, I_embedding, mu16, ub, ib)

# --- scband reference (transcript-rebuilt; emitter-appended) ---
"""Pipeline reference for scband-bias-mf-model-19602230739705 (READ-ONLY COPY).

The authoritative reference and input builder live on the scoring server;
editing this copy changes nothing except your own understanding.
"""

import jax, jax.numpy as jnp
import numpy as np

USER_NUM = 1000000
ITEM_NUM = 100000
K = 32
BATCH = 16384

def setup_inputs(seed: int = 0) -> dict:
    key = jax.random.key(seed)
    k1, k2, k3, k4 = jax.random.split(key, 4)
    user_indices = jax.random.randint(k1, (BATCH,), 0, USER_NUM, dtype=jnp.int64 if jax.config.jax_enable_x64 else jnp.int32)
    item_indices = jax.random.randint(k2, (BATCH,), 0, ITEM_NUM, dtype=jnp.int64 if jax.config.jax_enable_x64 else jnp.int32)
    U_embedding = jax.random.normal(k3, (USER_NUM, K), dtype=jnp.float32)
    I_embedding = jax.random.normal(k4, (ITEM_NUM, K), dtype=jnp.float32)
    mu = jnp.zeros((1,), dtype=jnp.float32)
    u_bias = jnp.zeros((USER_NUM, 1), dtype=jnp.float32)
    i_bias = jnp.zeros((ITEM_NUM, 1), dtype=jnp.float32)
    return {
        "user_indices": user_indices,
        "item_indices": item_indices,
        "U_embedding": U_embedding,
        "I_embedding": I_embedding,
        "mu": mu,
        "u_bias": u_bias,
        "i_bias": i_bias,
    }

def reference(user_indices, item_indices, U_embedding, I_embedding, mu, u_bias, i_bias):
    U = jnp.take(U_embedding, user_indices, axis=0)
    I = jnp.take(I_embedding, item_indices, axis=0)
    inner_product = jnp.sum(U * I, axis=1)
    Bias = mu + jnp.take(u_bias, user_indices, axis=0).reshape(-1) + jnp.take(i_bias, item_indices, axis=0).reshape(-1)
    rating = inner_product + Bias
    return rating

if __name__ == "__main__":
    import jax
    _d = setup_inputs()
    print(jax.jit(kernel)(*tuple(_d.values())))

</pallas_src>

<mosaic_0001>
#map = affine_map<(d0, d1) -> (0)>
#map1 = affine_map<(d0, d1) -> (0, 0)>
module attributes {stable_mosaic.version = 14 : i64} {
  func.func @_body(%arg0: i32, %arg1: i32, %arg2: memref<16384xi32, #tpu.memory_space<hbm>>, %arg3: memref<16384xi32, #tpu.memory_space<hbm>>, %arg4: memref<1000000x32xf32, #tpu.memory_space<hbm>>, %arg5: memref<100000x32xf32, #tpu.memory_space<hbm>>, %arg6: memref<16xf32, #tpu.memory_space<hbm>>, %arg7: memref<1000000xf32, #tpu.memory_space<hbm>>, %arg8: memref<100000xf32, #tpu.memory_space<hbm>>, %arg9: memref<16384xf32, #tpu.memory_space<hbm>>, %arg10: memref<512xi32, #tpu.memory_space<vmem>>, %arg11: memref<512xi32, #tpu.memory_space<vmem>>, %arg12: memref<512x32xf32, #tpu.memory_space<vmem>>, %arg13: memref<512x32xf32, #tpu.memory_space<vmem>>, %arg14: memref<512xf32, #tpu.memory_space<vmem>>, %arg15: memref<512xf32, #tpu.memory_space<vmem>>, %arg16: memref<16xf32, #tpu.memory_space<vmem>>, %arg17: memref<512xf32, #tpu.memory_space<vmem>>, %arg18: memref<!tpu.dma_semaphore, #tpu.memory_space<semaphore_mem>>) attributes {dimension_semantics = [#tpu.dimension_semantics<core_parallel>, #tpu.dimension_semantics<subcore_parallel>], iteration_bounds = array<i64: 2, 16>, scalar_prefetch = 0 : i64, scratch_operands = 9 : i64, tpu.core_type = #tpu.core_type<sc_vector_subcore>, window_params = [{transform_indices = #map}, {transform_indices = #map}, {transform_indices = #map1}, {transform_indices = #map1}, {transform_indices = #map}, {transform_indices = #map}, {transform_indices = #map}, {transform_indices = #map}]} {
    %mul3A = arith.constant 16 : i32
    %mul3A_0 = arith.muli %arg0, %mul3A : i32
    %add3A = arith.addi %mul3A_0, %arg1 : i32
    %mul3A_1 = arith.constant 512 : i32
    %mul3A_2 = arith.muli %add3A, %mul3A_1 : i32
    "tpu.region"() ({
      %run_scoped3A = tpu.sem_alloc : memref<!tpu.dma_semaphore, #tpu.memory_space<semaphore_mem>>
      %dma_start3A_231 = tpu.memref_slice %arg2[%mul3A_2] : memref<16384xi32, #tpu.memory_space<hbm>> -> memref<512xi32, #tpu.memory_space<hbm>>
      %dma_start3A_232 = tpu.memref_slice %arg2[%mul3A_2] : memref<16384xi32, #tpu.memory_space<hbm>> -> memref<512xi32, #tpu.memory_space<hbm>>
      tpu.enqueue_dma source(%dma_start3A_232 : memref<512xi32, #tpu.memory_space<hbm>>) target(%arg10 : memref<512xi32, #tpu.memory_space<vmem>>) target_semaphore(%run_scoped3A : memref<!tpu.dma_semaphore, #tpu.memory_space<semaphore_mem>>)
      %dma_wait3A_233 = tpu.memref_slice %arg2[%mul3A_2] : memref<16384xi32, #tpu.memory_space<hbm>> -> memref<512xi32, #tpu.memory_space<hbm>>
      %dma_wait3A_234 = tpu.memref_slice %arg2[%mul3A_2] : memref<16384xi32, #tpu.memory_space<hbm>> -> memref<512xi32, #tpu.memory_space<hbm>>
      tpu.wait_dma2 semaphore(%run_scoped3A : memref<!tpu.dma_semaphore, #tpu.memory_space<semaphore_mem>>) src(%dma_wait3A_234 : memref<512xi32, #tpu.memory_space<hbm>>) dst(%arg10 : memref<512xi32, #tpu.memory_space<vmem>>)
      tpu.yield
    }) : () -> ()
    "tpu.region"() ({
      %run_scoped3A = tpu.sem_alloc : memref<!tpu.dma_semaphore, #tpu.memory_space<semaphore_mem>>
      %dma_start3A_231 = tpu.memref_slice %arg3[%mul3A_2] : memref<16384xi32, #tpu.memory_space<hbm>> -> memref<512xi32, #tpu.memory_space<hbm>>
      %dma_start3A_232 = tpu.memref_slice %arg3[%mul3A_2] : memref<16384xi32, #tpu.memory_space<hbm>> -> memref<512xi32, #tpu.memory_space<hbm>>
      tpu.enqueue_dma source(%dma_start3A_232 : memref<512xi32, #tpu.memory_space<hbm>>) target(%arg11 : memref<512xi32, #tpu.memory_space<vmem>>) target_semaphore(%run_scoped3A : memref<!tpu.dma_semaphore, #tpu.memory_space<semaphore_mem>>)
      %dma_wait3A_233 = tpu.memref_slice %arg3[%mul3A_2] : memref<16384xi32, #tpu.memory_space<hbm>> -> memref<512xi32, #tpu.memory_space<hbm>>
      %dma_wait3A_234 = tpu.memref_slice %arg3[%mul3A_2] : memref<16384xi32, #tpu.memory_space<hbm>> -> memref<512xi32, #tpu.memory_space<hbm>>
      tpu.wait_dma2 semaphore(%run_scoped3A : memref<!tpu.dma_semaphore, #tpu.memory_space<semaphore_mem>>) src(%dma_wait3A_234 : memref<512xi32, #tpu.memory_space<hbm>>) dst(%arg11 : memref<512xi32, #tpu.memory_space<vmem>>)
      tpu.yield
    }) : () -> ()
    "tpu.region"() ({
      %run_scoped3A = tpu.sem_alloc : memref<!tpu.dma_semaphore, #tpu.memory_space<semaphore_mem>>
      tpu.enqueue_dma source(%arg6 : memref<16xf32, #tpu.memory_space<hbm>>) target(%arg16 : memref<16xf32, #tpu.memory_space<vmem>>) target_semaphore(%run_scoped3A : memref<!tpu.dma_semaphore, #tpu.memory_space<semaphore_mem>>)
      tpu.wait_dma2 semaphore(%run_scoped3A : memref<!tpu.dma_semaphore, #tpu.memory_space<semaphore_mem>>) src(%arg6 : memref<16xf32, #tpu.memory_space<hbm>>) dst(%arg16 : memref<16xf32, #tpu.memory_space<vmem>>)
      tpu.yield
    }) : () -> ()
    %dma_start3A = arith.constant 0 : i32
    %dma_start3A_3 = arith.constant 0 : i32
    %dma_start3A_4 = tpu.memref_slice %arg12[%dma_start3A, %dma_start3A_3] : memref<512x32xf32, #tpu.memory_space<vmem>> -> memref<128x32xf32, #tpu.memory_space<vmem>>
    %dma_start3A_5 = arith.constant 0 : i32
    %dma_start3A_6 = tpu.memref_slice %arg10[%dma_start3A_5] : memref<512xi32, #tpu.memory_space<vmem>> -> memref<128xi32, #tpu.memory_space<vmem>>
    %dma_start3A_7 = arith.constant 0 : i32
    %dma_start3A_8 = arith.constant 0 : i32
    %dma_start3A_9 = tpu.memref_slice %arg4[%dma_start3A_7, %dma_start3A_8] : memref<1000000x32xf32, #tpu.memory_space<hbm>> -> memref<1000000x32xf32, #tpu.memory_space<hbm>>
    tpu.enqueue_indirect_dma source(%dma_start3A_9 : memref<1000000x32xf32, #tpu.memory_space<hbm>>) target(%dma_start3A_4 : memref<128x32xf32, #tpu.memory_space<vmem>>) offsets(%dma_start3A_6 : memref<128xi32, #tpu.memory_space<vmem>>) semaphore(%arg18 : memref<!tpu.dma_semaphore, #tpu.memory_space<semaphore_mem>>)
    %dma_start3A_10 = arith.constant 0 : i32
    %dma_start3A_11 = arith.constant 0 : i32
    %dma_start3A_12 = tpu.memref_slice %arg13[%dma_start3A_10, %dma_start3A_11] : memref<512x32xf32, #tpu.memory_space<vmem>> -> memref<128x32xf32, #tpu.memory_space<vmem>>
    %dma_start3A_13 = arith.constant 0 : i32
    %dma_start3A_14 = tpu.memref_slice %arg11[%dma_start3A_13] : memref<512xi32, #tpu.memory_space<vmem>> -> memref<128xi32, #tpu.memory_space<vmem>>
    %dma_start3A_15 = arith.constant 0 : i32
    %dma_start3A_16 = arith.constant 0 : i32
    %dma_start3A_17 = tpu.memref_slice %arg5[%dma_start3A_15, %dma_start3A_16] : memref<100000x32xf32, #tpu.memory_space<hbm>> -> memref<100000x32xf32, #tpu.memory_space<hbm>>
    tpu.enqueue_indirect_dma source(%dma_start3A_17 : memref<100000x32xf32, #tpu.memory_space<hbm>>) target(%dma_start3A_12 : memref<128x32xf32, #tpu.memory_space<vmem>>) offsets(%dma_start3A_14 : memref<128xi32, #tpu.memory_space<vmem>>) semaphore(%arg18 : memref<!tpu.dma_semaphore, #tpu.memory_space<semaphore_mem>>)
    %dma_start3A_18 = arith.constant 0 : i32
    %dma_start3A_19 = tpu.memref_slice %arg14[%dma_start3A_18] : memref<512xf32, #tpu.memory_space<vmem>> -> memref<128xf32, #tpu.memory_space<vmem>>
    %dma_start3A_20 = arith.constant 0 : i32
    %dma_start3A_21 = tpu.memref_slice %arg10[%dma_start3A_20] : memref<512xi32, #tpu.memory_space<vmem>> -> memref<128xi32, #tpu.memory_space<vmem>>
    %dma_start3A_22 = arith.constant 0 : i32
    %dma_start3A_23 = tpu.memref_slice %arg7[%dma_start3A_22] : memref<1000000xf32, #tpu.memory_space<hbm>> -> memref<1000000xf32, #tpu.memory_space<hbm>>
    tpu.enqueue_indirect_dma source(%dma_start3A_23 : memref<1000000xf32, #tpu.memory_space<hbm>>) target(%dma_start3A_19 : memref<128xf32, #tpu.memory_space<vmem>>) offsets(%dma_start3A_21 : memref<128xi32, #tpu.memory_space<vmem>>) semaphore(%arg18 : memref<!tpu.dma_semaphore, #tpu.memory_space<semaphore_mem>>)
    %dma_start3A_24 = arith.constant 0 : i32
    %dma_start3A_25 = tpu.memref_slice %arg15[%dma_start3A_24] : memref<512xf32, #tpu.memory_space<vmem>> -> memref<128xf32, #tpu.memory_space<vmem>>
    %dma_start3A_26 = arith.constant 0 : i32
    %dma_start3A_27 = tpu.memref_slice %arg11[%dma_start3A_26] : memref<512xi32, #tpu.memory_space<vmem>> -> memref<128xi32, #tpu.memory_space<vmem>>
    %dma_start3A_28 = arith.constant 0 : i32
    %dma_start3A_29 = tpu.memref_slice %arg8[%dma_start3A_28] : memref<100000xf32, #tpu.memory_space<hbm>> -> memref<100000xf32, #tpu.memory_space<hbm>>
    tpu.enqueue_indirect_dma source(%dma_start3A_29 : memref<100000xf32, #tpu.memory_space<hbm>>) target(%dma_start3A_25 : memref<128xf32, #tpu.memory_space<vmem>>) offsets(%dma_start3A_27 : memref<128xi32, #tpu.memory_space<vmem>>) semaphore(%arg18 : memref<!tpu.dma_semaphore, #tpu.memory_space<semaphore_mem>>)
    %dma_start3A_30 = arith.constant 128 : i32
    %dma_start3A_31 = arith.constant 0 : i32
    %dma_start3A_32 = tpu.memref_slice %arg12[%dma_start3A_30, %dma_start3A_31] : memref<512x32xf32, #tpu.memory_space<vmem>> -> memref<128x32xf32, #tpu.memory_space<vmem>>
    %dma_start3A_33 = arith.constant 128 : i32
    %dma_start3A_34 = tpu.memref_slice %arg10[%dma_start3A_33] : memref<512xi32, #tpu.memory_space<vmem>> -> memref<128xi32, #tpu.memory_space<vmem>>
    %dma_start3A_35 = arith.constant 0 : i32
    %dma_start3A_36 = arith.constant 0 : i32
    %dma_start3A_37 = tpu.memref_slice %arg4[%dma_start3A_35, %dma_start3A_36] : memref<1000000x32xf32, #tpu.memory_space<hbm>> -> memref<1000000x32xf32, #tpu.memory_space<hbm>>
    tpu.enqueue_indirect_dma source(%dma_start3A_37 : memref<1000000x32xf32, #tpu.memory_space<hbm>>) target(%dma_start3A_32 : memref<128x32xf32, #tpu.memory_space<vmem>>) offsets(%dma_start3A_34 : memref<128xi32, #tpu.memory_space<vmem>>) semaphore(%arg18 : memref<!tpu.dma_semaphore, #tpu.memory_space<semaphore_mem>>)
    %dma_start3A_38 = arith.constant 128 : i32
    %dma_start3A_39 = arith.constant 0 : i32
    %dma_start3A_40 = tpu.memref_slice %arg13[%dma_start3A_38, %dma_start3A_39] : memref<512x32xf32, #tpu.memory_space<vmem>> -> memref<128x32xf32, #tpu.memory_space<vmem>>
    %dma_start3A_41 = arith.constant 128 : i32
    %dma_start3A_42 = tpu.memref_slice %arg11[%dma_start3A_41] : memref<512xi32, #tpu.memory_space<vmem>> -> memref<128xi32, #tpu.memory_space<vmem>>
    %dma_start3A_43 = arith.constant 0 : i32
    %dma_start3A_44 = arith.constant 0 : i32
    %dma_start3A_45 = tpu.memref_slice %arg5[%dma_start3A_43, %dma_start3A_44] : memref<100000x32xf32, #tpu.memory_space<hbm>> -> memref<100000x32xf32, #tpu.memory_space<hbm>>
    tpu.enqueue_indirect_dma source(%dma_start3A_45 : memref<100000x32xf32, #tpu.memory_space<hbm>>) target(%dma_start3A_40 : memref<128x32xf32, #tpu.memory_space<vmem>>) offsets(%dma_start3A_42 : memref<128xi32, #tpu.memory_space<vmem>>) semaphore(%arg18 : memref<!tpu.dma_semaphore, #tpu.memory_space<semaphore_mem>>)
    %dma_start3A_46 = arith.constant 128 : i32
    %dma_start3A_47 = tpu.memref_slice %arg14[%dma_start3A_46] : memref<512xf32, #tpu.memory_space<vmem>> -> memref<128xf32, #tpu.memory_space<vmem>>
    %dma_start3A_48 = arith.constant 128 : i32
    %dma_start3A_49 = tpu.memref_slice %arg10[%dma_start3A_48] : memref<512xi32, #tpu.memory_space<vmem>> -> memref<128xi32, #tpu.memory_space<vmem>>
    %dma_start3A_50 = arith.constant 0 : i32
    %dma_start3A_51 = tpu.memref_slice %arg7[%dma_start3A_50] : memref<1000000xf32, #tpu.memory_space<hbm>> -> memref<1000000xf32, #tpu.memory_space<hbm>>
    tpu.enqueue_indirect_dma source(%dma_start3A_51 : memref<1000000xf32, #tpu.memory_space<hbm>>) target(%dma_start3A_47 : memref<128xf32, #tpu.memory_space<vmem>>) offsets(%dma_start3A_49 : memref<128xi32, #tpu.memory_space<vmem>>) semaphore(%arg18 : memref<!tpu.dma_semaphore, #tpu.memory_space<semaphore_mem>>)
    %dma_start3A_52 = arith.constant 128 : i32
    %dma_start3A_53 = tpu.memref_slice %arg15[%dma_start3A_52] : memref<512xf32, #tpu.memory_space<vmem>> -> memref<128xf32, #tpu.memory_space<vmem>>
    %dma_start3A_54 = arith.constant 128 : i32
    %dma_start3A_55 = tpu.memref_slice %arg11[%dma_start3A_54] : memref<512xi32, #tpu.memory_space<vmem>> -> memref<128xi32, #tpu.memory_space<vmem>>
    %dma_start3A_56 = arith.constant 0 : i32
    %dma_start3A_57 = tpu.memref_slice %arg8[%dma_start3A_56] : memref<100000xf32, #tpu.memory_space<hbm>> -> memref<100000xf32, #tpu.memory_space<hbm>>
    tpu.enqueue_indirect_dma source(%dma_start3A_57 : memref<100000xf32, #tpu.memory_space<hbm>>) target(%dma_start3A_53 : memref<128xf32, #tpu.memory_space<vmem>>) offsets(%dma_start3A_55 : memref<128xi32, #tpu.memory_space<vmem>>) semaphore(%arg18 : memref<!tpu.dma_semaphore, #tpu.memory_space<semaphore_mem>>)
    %dma_start3A_58 = arith.constant 256 : i32
    %dma_start3A_59 = arith.constant 0 : i32
    %dma_start3A_60 = tpu.memref_slice %arg12[%dma_start3A_58, %dma_start3A_59] : memref<512x32xf32, #tpu.memory_space<vmem>> -> memref<128x32xf32, #tpu.memory_space<vmem>>
    %dma_start3A_61 = arith.constant 256 : i32
    %dma_start3A_62 = tpu.memref_slice %arg10[%dma_start3A_61] : memref<512xi32, #tpu.memory_space<vmem>> -> memref<128xi32, #tpu.memory_space<vmem>>
    %dma_start3A_63 = arith.constant 0 : i32
    %dma_start3A_64 = arith.constant 0 : i32
    %dma_start3A_65 = tpu.memref_slice %arg4[%dma_start3A_63, %dma_start3A_64] : memref<1000000x32xf32, #tpu.memory_space<hbm>> -> memref<1000000x32xf32, #tpu.memory_space<hbm>>
    tpu.enqueue_indirect_dma source(%dma_start3A_65 : memref<1000000x32xf32, #tpu.memory_space<hbm>>) target(%dma_start3A_60 : memref<128x32xf32, #tpu.memory_space<vmem>>) offsets(%dma_start3A_62 : memref<128xi32, #tpu.memory_space<vmem>>) semaphore(%arg18 : memref<!tpu.dma_semaphore, #tpu.memory_space<semaphore_mem>>)
    %dma_start3A_66 = arith.constant 256 : i32
    %dma_start3A_67 = arith.constant 0 : i32
    %dma_start3A_68 = tpu.memref_slice %arg13[%dma_start3A_66, %dma_start3A_67] : memref<512x32xf32, #tpu.memory_space<vmem>> -> memref<128x32xf32, #tpu.memory_space<vmem>>
    %dma_start3A_69 = arith.constant 256 : i32
    %dma_start3A_70 = tpu.memref_slice %arg11[%dma_start3A_69] : memref<512xi32, #tpu.memory_space<vmem>> -> memref<128xi32, #tpu.memory_space<vmem>>
    %dma_start3A_71 = arith.constant 0 : i32
    %dma_start3A_72 = arith.constant 0 : i32
    %dma_start3A_73 = tpu.memref_slice %arg5[%dma_start3A_71, %dma_start3A_72] : memref<100000x32xf32, #tpu.memory_space<hbm>> -> memref<100000x32xf32, #tpu.memory_space<hbm>>
    tpu.enqueue_indirect_dma source(%dma_start3A_73 : memref<100000x32xf32, #tpu.memory_space<hbm>>) target(%dma_start3A_68 : memref<128x32xf32, #tpu.memory_space<vmem>>) offsets(%dma_start3A_70 : memref<128xi32, #tpu.memory_space<vmem>>) semaphore(%arg18 : memref<!tpu.dma_semaphore, #tpu.memory_space<semaphore_mem>>)
    %dma_start3A_74 = arith.constant 256 : i32
    %dma_start3A_75 = tpu.memref_slice %arg14[%dma_start3A_74] : memref<512xf32, #tpu.memory_space<vmem>> -> memref<128xf32, #tpu.memory_space<vmem>>
    %dma_start3A_76 = arith.constant 256 : i32
    %dma_start3A_77 = tpu.memref_slice %arg10[%dma_start3A_76] : memref<512xi32, #tpu.memory_space<vmem>> -> memref<128xi32, #tpu.memory_space<vmem>>
    %dma_start3A_78 = arith.constant 0 : i32
    %dma_start3A_79 = tpu.memref_slice %arg7[%dma_start3A_78] : memref<1000000xf32, #tpu.memory_space<hbm>> -> memref<1000000xf32, #tpu.memory_space<hbm>>
    tpu.enqueue_indirect_dma source(%dma_start3A_79 : memref<1000000xf32, #tpu.memory_space<hbm>>) target(%dma_start3A_75 : memref<128xf32, #tpu.memory_space<vmem>>) offsets(%dma_start3A_77 : memref<128xi32, #tpu.memory_space<vmem>>) semaphore(%arg18 : memref<!tpu.dma_semaphore, #tpu.memory_space<semaphore_mem>>)
    %dma_start3A_80 = arith.constant 256 : i32
    %dma_start3A_81 = tpu.memref_slice %arg15[%dma_start3A_80] : memref<512xf32, #tpu.memory_space<vmem>> -> memref<128xf32, #tpu.memory_space<vmem>>
    %dma_start3A_82 = arith.constant 256 : i32
    %dma_start3A_83 = tpu.memref_slice %arg11[%dma_start3A_82] : memref<512xi32, #tpu.memory_space<vmem>> -> memref<128xi32, #tpu.memory_space<vmem>>
    %dma_start3A_84 = arith.constant 0 : i32
    %dma_start3A_85 = tpu.memref_slice %arg8[%dma_start3A_84] : memref<100000xf32, #tpu.memory_space<hbm>> -> memref<100000xf32, #tpu.memory_space<hbm>>
    tpu.enqueue_indirect_dma source(%dma_start3A_85 : memref<100000xf32, #tpu.memory_space<hbm>>) target(%dma_start3A_81 : memref<128xf32, #tpu.memory_space<vmem>>) offsets(%dma_start3A_83 : memref<128xi32, #tpu.memory_space<vmem>>) semaphore(%arg18 : memref<!tpu.dma_semaphore, #tpu.memory_space<semaphore_mem>>)
    %dma_start3A_86 = arith.constant 384 : i32
    %dma_start3A_87 = arith.constant 0 : i32
    %dma_start3A_88 = tpu.memref_slice %arg12[%dma_start3A_86, %dma_start3A_87] : memref<512x32xf32, #tpu.memory_space<vmem>> -> memref<128x32xf32, #tpu.memory_space<vmem>>
    %dma_start3A_89 = arith.constant 384 : i32
    %dma_start3A_90 = tpu.memref_slice %arg10[%dma_start3A_89] : memref<512xi32, #tpu.memory_space<vmem>> -> memref<128xi32, #tpu.memory_space<vmem>>
    %dma_start3A_91 = arith.constant 0 : i32
    %dma_start3A_92 = arith.constant 0 : i32
    %dma_start3A_93 = tpu.memref_slice %arg4[%dma_start3A_91, %dma_start3A_92] : memref<1000000x32xf32, #tpu.memory_space<hbm>> -> memref<1000000x32xf32, #tpu.memory_space<hbm>>
    tpu.enqueue_indirect_dma source(%dma_start3A_93 : memref<1000000x32xf32, #tpu.memory_space<hbm>>) target(%dma_start3A_88 : memref<128x32xf32, #tpu.memory_space<vmem>>) offsets(%dma_start3A_90 : memref<128xi32, #tpu.memory_space<vmem>>) semaphore(%arg18 : memref<!tpu.dma_semaphore, #tpu.memory_space<semaphore_mem>>)
    %dma_start3A_94 = arith.constant 384 : i32
    %dma_start3A_95 = arith.constant 0 : i32
    %dma_start3A_96 = tpu.memref_slice %arg13[%dma_start3A_94, %dma_start3A_95] : memref<512x32xf32, #tpu.memory_space<vmem>> -> memref<128x32xf32, #tpu.memory_space<vmem>>
    %dma_start3A_97 = arith.constant 384 : i32
    %dma_start3A_98 = tpu.memref_slice %arg11[%dma_start3A_97] : memref<512xi32, #tpu.memory_space<vmem>> -> memref<128xi32, #tpu.memory_space<vmem>>
    %dma_start3A_99 = arith.constant 0 : i32
    %dma_start3A_100 = arith.constant 0 : i32
    %dma_start3A_101 = tpu.memref_slice %arg5[%dma_start3A_99, %dma_start3A_100] : memref<100000x32xf32, #tpu.memory_space<hbm>> -> memref<100000x32xf32, #tpu.memory_space<hbm>>
    tpu.enqueue_indirect_dma source(%dma_start3A_101 : memref<100000x32xf32, #tpu.memory_space<hbm>>) target(%dma_start3A_96 : memref<128x32xf32, #tpu.memory_space<vmem>>) offsets(%dma_start3A_98 : memref<128xi32, #tpu.memory_space<vmem>>) semaphore(%arg18 : memref<!tpu.dma_semaphore, #tpu.memory_space<semaphore_mem>>)
    %dma_start3A_102 = arith.constant 384 : i32
    %dma_start3A_103 = tpu.memref_slice %arg14[%dma_start3A_102] : memref<512xf32, #tpu.memory_space<vmem>> -> memref<128xf32, #tpu.memory_space<vmem>>
    %dma_start3A_104 = arith.constant 384 : i32
    %dma_start3A_105 = tpu.memref_slice %arg10[%dma_start3A_104] : memref<512xi32, #tpu.memory_space<vmem>> -> memref<128xi32, #tpu.memory_space<vmem>>
    %dma_start3A_106 = arith.constant 0 : i32
    %dma_start3A_107 = tpu.memref_slice %arg7[%dma_start3A_106] : memref<1000000xf32, #tpu.memory_space<hbm>> -> memref<1000000xf32, #tpu.memory_space<hbm>>
    tpu.enqueue_indirect_dma source(%dma_start3A_107 : memref<1000000xf32, #tpu.memory_space<hbm>>) target(%dma_start3A_103 : memref<128xf32, #tpu.memory_space<vmem>>) offsets(%dma_start3A_105 : memref<128xi32, #tpu.memory_space<vmem>>) semaphore(%arg18 : memref<!tpu.dma_semaphore, #tpu.memory_space<semaphore_mem>>)
    %dma_start3A_108 = arith.constant 384 : i32
    %dma_start3A_109 = tpu.memref_slice %arg15[%dma_start3A_108] : memref<512xf32, #tpu.memory_space<vmem>> -> memref<128xf32, #tpu.memory_space<vmem>>
    %dma_start3A_110 = arith.constant 384 : i32
    %dma_start3A_111 = tpu.memref_slice %arg11[%dma_start3A_110] : memref<512xi32, #tpu.memory_space<vmem>> -> memref<128xi32, #tpu.memory_space<vmem>>
    %dma_start3A_112 = arith.constant 0 : i32
    %dma_start3A_113 = tpu.memref_slice %arg8[%dma_start3A_112] : memref<100000xf32, #tpu.memory_space<hbm>> -> memref<100000xf32, #tpu.memory_space<hbm>>
    tpu.enqueue_indirect_dma source(%dma_start3A_113 : memref<100000xf32, #tpu.memory_space<hbm>>) target(%dma_start3A_109 : memref<128xf32, #tpu.memory_space<vmem>>) offsets(%dma_start3A_111 : memref<128xi32, #tpu.memory_space<vmem>>) semaphore(%arg18 : memref<!tpu.dma_semaphore, #tpu.memory_space<semaphore_mem>>)
    %dma_wait3A = arith.constant 0 : i32
    %dma_wait3A_114 = arith.constant 0 : i32
    %dma_wait3A_115 = tpu.memref_slice %arg12[%dma_wait3A, %dma_wait3A_114] : memref<512x32xf32, #tpu.memory_space<vmem>> -> memref<128x32xf32, #tpu.memory_space<vmem>>
    %dma_wait3A_116 = arith.constant 0 : i32
    %dma_wait3A_117 = tpu.memref_slice %arg10[%dma_wait3A_116] : memref<512xi32, #tpu.memory_space<vmem>> -> memref<128xi32, #tpu.memory_space<vmem>>
    %dma_wait3A_118 = arith.constant 0 : i32
    %dma_wait3A_119 = arith.constant 0 : i32
    %dma_wait3A_120 = tpu.memref_slice %arg4[%dma_wait3A_118, %dma_wait3A_119] : memref<1000000x32xf32, #tpu.memory_space<hbm>> -> memref<1000000x32xf32, #tpu.memory_space<hbm>>
    tpu.wait_indirect_dma semaphore(%arg18 : memref<!tpu.dma_semaphore, #tpu.memory_space<semaphore_mem>>) src(%dma_wait3A_120 : memref<1000000x32xf32, #tpu.memory_space<hbm>>) dst(%dma_wait3A_115 : memref<128x32xf32, #tpu.memory_space<vmem>>)
    %dma_wait3A_121 = arith.constant 0 : i32
    %dma_wait3A_122 = arith.constant 0 : i32
    %dma_wait3A_123 = tpu.memref_slice %arg13[%dma_wait3A_121, %dma_wait3A_122] : memref<512x32xf32, #tpu.memory_space<vmem>> -> memref<128x32xf32, #tpu.memory_space<vmem>>
    %dma_wait3A_124 = arith.constant 0 : i32
    %dma_wait3A_125 = tpu.memref_slice %arg11[%dma_wait3A_124] : memref<512xi32, #tpu.memory_space<vmem>> -> memref<128xi32, #tpu.memory_space<vmem>>
    %dma_wait3A_126 = arith.constant 0 : i32
    %dma_wait3A_127 = arith.constant 0 : i32
    %dma_wait3A_128 = tpu.memref_slice %arg5[%dma_wait3A_126, %dma_wait3A_127] : memref<100000x32xf32, #tpu.memory_space<hbm>> -> memref<100000x32xf32, #tpu.memory_space<hbm>>
    tpu.wait_indirect_dma semaphore(%arg18 : memref<!tpu.dma_semaphore, #tpu.memory_space<semaphore_mem>>) src(%dma_wait3A_128 : memref<100000x32xf32, #tpu.memory_space<hbm>>) dst(%dma_wait3A_123 : memref<128x32xf32, #tpu.memory_space<vmem>>)
    %dma_wait3A_129 = arith.constant 0 : i32
    %dma_wait3A_130 = tpu.memref_slice %arg14[%dma_wait3A_129] : memref<512xf32, #tpu.memory_space<vmem>> -> memref<128xf32, #tpu.memory_space<vmem>>
    %dma_wait3A_131 = arith.constant 0 : i32
    %dma_wait3A_132 = tpu.memref_slice %arg10[%dma_wait3A_131] : memref<512xi32, #tpu.memory_space<vmem>> -> memref<128xi32, #tpu.memory_space<vmem>>
    %dma_wait3A_133 = arith.constant 0 : i32
    %dma_wait3A_134 = tpu.memref_slice %arg7[%dma_wait3A_133] : memref<1000000xf32, #tpu.memory_space<hbm>> -> memref<1000000xf32, #tpu.memory_space<hbm>>
    tpu.wait_indirect_dma semaphore(%arg18 : memref<!tpu.dma_semaphore, #tpu.memory_space<semaphore_mem>>) src(%dma_wait3A_134 : memref<1000000xf32, #tpu.memory_space<hbm>>) dst(%dma_wait3A_130 : memref<128xf32, #tpu.memory_space<vmem>>)
    %dma_wait3A_135 = arith.constant 0 : i32
    %dma_wait3A_136 = tpu.memref_slice %arg15[%dma_wait3A_135] : memref<512xf32, #tpu.memory_space<vmem>> -> memref<128xf32, #tpu.memory_space<vmem>>
    %dma_wait3A_137 = arith.constant 0 : i32
    %dma_wait3A_138 = tpu.memref_slice %arg11[%dma_wait3A_137] : memref<512xi32, #tpu.memory_space<vmem>> -> memref<128xi32, #tpu.memory_space<vmem>>
    %dma_wait3A_139 = arith.constant 0 : i32
    %dma_wait3A_140 = tpu.memref_slice %arg8[%dma_wait3A_139] : memref<100000xf32, #tpu.memory_space<hbm>> -> memref<100000xf32, #tpu.memory_space<hbm>>
    tpu.wait_indirect_dma semaphore(%arg18 : memref<!tpu.dma_semaphore, #tpu.memory_space<semaphore_mem>>) src(%dma_wait3A_140 : memref<100000xf32, #tpu.memory_space<hbm>>) dst(%dma_wait3A_136 : memref<128xf32, #tpu.memory_space<vmem>>)
    %dma_wait3A_141 = arith.constant 128 : i32
    %dma_wait3A_142 = arith.constant 0 : i32
    %dma_wait3A_143 = tpu.memref_slice %arg12[%dma_wait3A_141, %dma_wait3A_142] : memref<512x32xf32, #tpu.memory_space<vmem>> -> memref<128x32xf32, #tpu.memory_space<vmem>>
    %dma_wait3A_144 = arith.constant 128 : i32
    %dma_wait3A_145 = tpu.memref_slice %arg10[%dma_wait3A_144] : memref<512xi32, #tpu.memory_space<vmem>> -> memref<128xi32, #tpu.memory_space<vmem>>
    %dma_wait3A_146 = arith.constant 0 : i32
    %dma_wait3A_147 = arith.constant 0 : i32
    %dma_wait3A_148 = tpu.memref_slice %arg4[%dma_wait3A_146, %dma_wait3A_147] : memref<1000000x32xf32, #tpu.memory_space<hbm>> -> memref<1000000x32xf32, #tpu.memory_space<hbm>>
    tpu.wait_indirect_dma semaphore(%arg18 : memref<!tpu.dma_semaphore, #tpu.memory_space<semaphore_mem>>) src(%dma_wait3A_148 : memref<1000000x32xf32, #tpu.memory_space<hbm>>) dst(%dma_wait3A_143 : memref<128x32xf32, #tpu.memory_space<vmem>>)
    %dma_wait3A_149 = arith.constant 128 : i32
    %dma_wait3A_150 = arith.constant 0 : i32
    %dma_wait3A_151 = tpu.memref_slice %arg13[%dma_wait3A_149, %dma_wait3A_150] : memref<512x32xf32, #tpu.memory_space<vmem>> -> memref<128x32xf32, #tpu.memory_space<vmem>>
    %dma_wait3A_152 = arith.constant 128 : i32
    %dma_wait3A_153 = tpu.memref_slice %arg11[%dma_wait3A_152] : memref<512xi32, #tpu.memory_space<vmem>> -> memref<128xi32, #tpu.memory_space<vmem>>
    %dma_wait3A_154 = arith.constant 0 : i32
    %dma_wait3A_155 = arith.constant 0 : i32
    %dma_wait3A_156 = tpu.memref_slice %arg5[%dma_wait3A_154, %dma_wait3A_155] : memref<100000x32xf32, #tpu.memory_space<hbm>> -> memref<100000x32xf32, #tpu.memory_space<hbm>>
    tpu.wait_indirect_dma semaphore(%arg18 : memref<!tpu.dma_semaphore, #tpu.memory_space<semaphore_mem>>) src(%dma_wait3A_156 : memref<100000x32xf32, #tpu.memory_space<hbm>>) dst(%dma_wait3A_151 : memref<128x32xf32, #tpu.memory_space<vmem>>)
    %dma_wait3A_157 = arith.constant 128 : i32
    %dma_wait3A_158 = tpu.memref_slice %arg14[%dma_wait3A_157] : memref<512xf32, #tpu.memory_space<vmem>> -> memref<128xf32, #tpu.memory_space<vmem>>
    %dma_wait3A_159 = arith.constant 128 : i32
    %dma_wait3A_160 = tpu.memref_slice %arg10[%dma_wait3A_159] : memref<512xi32, #tpu.memory_space<vmem>> -> memref<128xi32, #tpu.memory_space<vmem>>
    %dma_wait3A_161 = arith.constant 0 : i32
    %dma_wait3A_162 = tpu.memref_slice %arg7[%dma_wait3A_161] : memref<1000000xf32, #tpu.memory_space<hbm>> -> memref<1000000xf32, #tpu.memory_space<hbm>>
    tpu.wait_indirect_dma semaphore(%arg18 : memref<!tpu.dma_semaphore, #tpu.memory_space<semaphore_mem>>) src(%dma_wait3A_162 : memref<1000000xf32, #tpu.memory_space<hbm>>) dst(%dma_wait3A_158 : memref<128xf32, #tpu.memory_space<vmem>>)
    %dma_wait3A_163 = arith.constant 128 : i32
    %dma_wait3A_164 = tpu.memref_slice %arg15[%dma_wait3A_163] : memref<512xf32, #tpu.memory_space<vmem>> -> memref<128xf32, #tpu.memory_space<vmem>>
    %dma_wait3A_165 = arith.constant 128 : i32
    %dma_wait3A_166 = tpu.memref_slice %arg11[%dma_wait3A_165] : memref<512xi32, #tpu.memory_space<vmem>> -> memref<128xi32, #tpu.memory_space<vmem>>
    %dma_wait3A_167 = arith.constant 0 : i32
    %dma_wait3A_168 = tpu.memref_slice %arg8[%dma_wait3A_167] : memref<100000xf32, #tpu.memory_space<hbm>> -> memref<100000xf32, #tpu.memory_space<hbm>>
    tpu.wait_indirect_dma semaphore(%arg18 : memref<!tpu.dma_semaphore, #tpu.memory_space<semaphore_mem>>) src(%dma_wait3A_168 : memref<100000xf32, #tpu.memory_space<hbm>>) dst(%dma_wait3A_164 : memref<128xf32, #tpu.memory_space<vmem>>)
    %dma_wait3A_169 = arith.constant 256 : i32
    %dma_wait3A_170 = arith.constant 0 : i32
    %dma_wait3A_171 = tpu.memref_slice %arg12[%dma_wait3A_169, %dma_wait3A_170] : memref<512x32xf32, #tpu.memory_space<vmem>> -> memref<128x32xf32, #tpu.memory_space<vmem>>
    %dma_wait3A_172 = arith.constant 256 : i32
    %dma_wait3A_173 = tpu.memref_slice %arg10[%dma_wait3A_172] : memref<512xi32, #tpu.memory_space<vmem>> -> memref<128xi32, #tpu.memory_space<vmem>>
    %dma_wait3A_174 = arith.constant 0 : i32
    %dma_wait3A_175 = arith.constant 0 : i32
    %dma_wait3A_176 = tpu.memref_slice %arg4[%dma_wait3A_174, %dma_wait3A_175] : memref<1000000x32xf32, #tpu.memory_space<hbm>> -> memref<1000000x32xf32, #tpu.memory_space<hbm>>
    tpu.wait_indirect_dma semaphore(%arg18 : memref<!tpu.dma_semaphore, #tpu.memory_space<semaphore_mem>>) src(%dma_wait3A_176 : memref<1000000x32xf32, #tpu.memory_space<hbm>>) dst(%dma_wait3A_171 : memref<128x32xf32, #tpu.memory_space<vmem>>)
    %dma_wait3A_177 = arith.constant 256 : i32
    %dma_wait3A_178 = arith.constant 0 : i32
    %dma_wait3A_179 = tpu.memref_slice %arg13[%dma_wait3A_177, %dma_wait3A_178] : memref<512x32xf32, #tpu.memory_space<vmem>> -> memref<128x32xf32, #tpu.memory_space<vmem>>
    %dma_wait3A_180 = arith.constant 256 : i32
    %dma_wait3A_181 = tpu.memref_slice %arg11[%dma_wait3A_180] : memref<512xi32, #tpu.memory_space<vmem>> -> memref<128xi32, #tpu.memory_space<vmem>>
    %dma_wait3A_182 = arith.constant 0 : i32
    %dma_wait3A_183 = arith.constant 0 : i32
    %dma_wait3A_184 = tpu.memref_slice %arg5[%dma_wait3A_182, %dma_wait3A_183] : memref<100000x32xf32, #tpu.memory_space<hbm>> -> memref<100000x32xf32, #tpu.memory_space<hbm>>
    tpu.wait_indirect_dma semaphore(%arg18 : memref<!tpu.dma_semaphore, #tpu.memory_space<semaphore_mem>>) src(%dma_wait3A_184 : memref<100000x32xf32, #tpu.memory_space<hbm>>) dst(%dma_wait3A_179 : memref<128x32xf32, #tpu.memory_space<vmem>>)
    %dma_wait3A_185 = arith.constant 256 : i32
    %dma_wait3A_186 = tpu.memref_slice %arg14[%dma_wait3A_185] : memref<512xf32, #tpu.memory_space<vmem>> -> memref<128xf32, #tpu.memory_space<vmem>>
    %dma_wait3A_187 = arith.constant 256 : i32
    %dma_wait3A_188 = tpu.memref_slice %arg10[%dma_wait3A_187] : memref<512xi32, #tpu.memory_space<vmem>> -> memref<128xi32, #tpu.memory_space<vmem>>
    %dma_wait3A_189 = arith.constant 0 : i32
    %dma_wait3A_190 = tpu.memref_slice %arg7[%dma_wait3A_189] : memref<1000000xf32, #tpu.memory_space<hbm>> -> memref<1000000xf32, #tpu.memory_space<hbm>>
    tpu.wait_indirect_dma semaphore(%arg18 : memref<!tpu.dma_semaphore, #tpu.memory_space<semaphore_mem>>) src(%dma_wait3A_190 : memref<1000000xf32, #tpu.memory_space<hbm>>) dst(%dma_wait3A_186 : memref<128xf32, #tpu.memory_space<vmem>>)
    %dma_wait3A_191 = arith.constant 256 : i32
    %dma_wait3A_192 = tpu.memref_slice %arg15[%dma_wait3A_191] : memref<512xf32, #tpu.memory_space<vmem>> -> memref<128xf32, #tpu.memory_space<vmem>>
    %dma_wait3A_193 = arith.constant 256 : i32
    %dma_wait3A_194 = tpu.memref_slice %arg11[%dma_wait3A_193] : memref<512xi32, #tpu.memory_space<vmem>> -> memref<128xi32, #tpu.memory_space<vmem>>
    %dma_wait3A_195 = arith.constant 0 : i32
    %dma_wait3A_196 = tpu.memref_slice %arg8[%dma_wait3A_195] : memref<100000xf32, #tpu.memory_space<hbm>> -> memref<100000xf32, #tpu.memory_space<hbm>>
    tpu.wait_indirect_dma semaphore(%arg18 : memref<!tpu.dma_semaphore, #tpu.memory_space<semaphore_mem>>) src(%dma_wait3A_196 : memref<100000xf32, #tpu.memory_space<hbm>>) dst(%dma_wait3A_192 : memref<128xf32, #tpu.memory_space<vmem>>)
    %dma_wait3A_197 = arith.constant 384 : i32
    %dma_wait3A_198 = arith.constant 0 : i32
    %dma_wait3A_199 = tpu.memref_slice %arg12[%dma_wait3A_197, %dma_wait3A_198] : memref<512x32xf32, #tpu.memory_space<vmem>> -> memref<128x32xf32, #tpu.memory_space<vmem>>
    %dma_wait3A_200 = arith.constant 384 : i32
    %dma_wait3A_201 = tpu.memref_slice %arg10[%dma_wait3A_200] : memref<512xi32, #tpu.memory_space<vmem>> -> memref<128xi32, #tpu.memory_space<vmem>>
    %dma_wait3A_202 = arith.constant 0 : i32
    %dma_wait3A_203 = arith.constant 0 : i32
    %dma_wait3A_204 = tpu.memref_slice %arg4[%dma_wait3A_202, %dma_wait3A_203] : memref<1000000x32xf32, #tpu.memory_space<hbm>> -> memref<1000000x32xf32, #tpu.memory_space<hbm>>
    tpu.wait_indirect_dma semaphore(%arg18 : memref<!tpu.dma_semaphore, #tpu.memory_space<semaphore_mem>>) src(%dma_wait3A_204 : memref<1000000x32xf32, #tpu.memory_space<hbm>>) dst(%dma_wait3A_199 : memref<128x32xf32, #tpu.memory_space<vmem>>)
    %dma_wait3A_205 = arith.constant 384 : i32
    %dma_wait3A_206 = arith.constant 0 : i32
    %dma_wait3A_207 = tpu.memref_slice %arg13[%dma_wait3A_205, %dma_wait3A_206] : memref<512x32xf32, #tpu.memory_space<vmem>> -> memref<128x32xf32, #tpu.memory_space<vmem>>
    %dma_wait3A_208 = arith.constant 384 : i32
    %dma_wait3A_209 = tpu.memref_slice %arg11[%dma_wait3A_208] : memref<512xi32, #tpu.memory_space<vmem>> -> memref<128xi32, #tpu.memory_space<vmem>>
    %dma_wait3A_210 = arith.constant 0 : i32
    %dma_wait3A_211 = arith.constant 0 : i32
    %dma_wait3A_212 = tpu.memref_slice %arg5[%dma_wait3A_210, %dma_wait3A_211] : memref<100000x32xf32, #tpu.memory_space<hbm>> -> memref<100000x32xf32, #tpu.memory_space<hbm>>
    tpu.wait_indirect_dma semaphore(%arg18 : memref<!tpu.dma_semaphore, #tpu.memory_space<semaphore_mem>>) src(%dma_wait3A_212 : memref<100000x32xf32, #tpu.memory_space<hbm>>) dst(%dma_wait3A_207 : memref<128x32xf32, #tpu.memory_space<vmem>>)
    %dma_wait3A_213 = arith.constant 384 : i32
    %dma_wait3A_214 = tpu.memref_slice %arg14[%dma_wait3A_213] : memref<512xf32, #tpu.memory_space<vmem>> -> memref<128xf32, #tpu.memory_space<vmem>>
    %dma_wait3A_215 = arith.constant 384 : i32
    %dma_wait3A_216 = tpu.memref_slice %arg10[%dma_wait3A_215] : memref<512xi32, #tpu.memory_space<vmem>> -> memref<128xi32, #tpu.memory_space<vmem>>
    %dma_wait3A_217 = arith.constant 0 : i32
    %dma_wait3A_218 = tpu.memref_slice %arg7[%dma_wait3A_217] : memref<1000000xf32, #tpu.memory_space<hbm>> -> memref<1000000xf32, #tpu.memory_space<hbm>>
    tpu.wait_indirect_dma semaphore(%arg18 : memref<!tpu.dma_semaphore, #tpu.memory_space<semaphore_mem>>) src(%dma_wait3A_218 : memref<1000000xf32, #tpu.memory_space<hbm>>) dst(%dma_wait3A_214 : memref<128xf32, #tpu.memory_space<vmem>>)
    %dma_wait3A_219 = arith.constant 384 : i32
    %dma_wait3A_220 = tpu.memref_slice %arg15[%dma_wait3A_219] : memref<512xf32, #tpu.memory_space<vmem>> -> memref<128xf32, #tpu.memory_space<vmem>>
    %dma_wait3A_221 = arith.constant 384 : i32
    %dma_wait3A_222 = tpu.memref_slice %arg11[%dma_wait3A_221] : memref<512xi32, #tpu.memory_space<vmem>> -> memref<128xi32, #tpu.memory_space<vmem>>
    %dma_wait3A_223 = arith.constant 0 : i32
    %dma_wait3A_224 = tpu.memref_slice %arg8[%dma_wait3A_223] : memref<100000xf32, #tpu.memory_space<hbm>> -> memref<100000xf32, #tpu.memory_space<hbm>>
    tpu.wait_indirect_dma semaphore(%arg18 : memref<!tpu.dma_semaphore, #tpu.memory_space<semaphore_mem>>) src(%dma_wait3A_224 : memref<100000xf32, #tpu.memory_space<hbm>>) dst(%dma_wait3A_220 : memref<128xf32, #tpu.memory_space<vmem>>)
    %get3A = arith.constant 0 : index
    %get3A_225 = tpu.vector_load %arg16[%get3A] {strides = array<i32>} : memref<16xf32, #tpu.memory_space<vmem>>, vector<16xf32>,
    %iota3A = tpu.iota {dimensions = array<i32: 0>} : vector<16xi32>
    %scan3A = arith.constant 0 : i32
    %scan3A_226 = arith.constant 0 : i32
    %scan3A_227 = arith.constant 32 : i32
    %scan3A_228 = arith.addi %scan3A_226, %scan3A_227 : i32
    %scan3A_229 = arith.constant 1 : i32
    scf.for %scan3A_231 = %scan3A_226 to %scan3A_228 step %scan3A_229  : i32 {
      %mul3A_232 = arith.constant 16 : i32
      %mul3A_233 = arith.muli %scan3A_231, %mul3A_232 : i32
      %add3A_234 = vector.broadcast %mul3A_233 : i32 to vector<16xi32>
      %add3A_235 = arith.addi %add3A_234, %iota3A : vector<16xi32>
      %gather3A = tpu.vector_load_idx %arg14[%add3A_235] : memref<512xf32, #tpu.memory_space<vmem>>[vector<16xi32>], vector<16xf32>,
      %add3A_236 = arith.addf %get3A_225, %gather3A : vector<16xf32>
      %gather3A_237 = tpu.vector_load_idx %arg15[%add3A_235] : memref<512xf32, #tpu.memory_space<vmem>>[vector<16xi32>], vector<16xf32>,
      %add3A_238 = arith.addf %add3A_236, %gather3A_237 : vector<16xf32>
      %broadcast_in_dim3A = arith.constant 0 : i32
      %broadcast_in_dim3A_239 = vector.broadcast %broadcast_in_dim3A : i32 to vector<16xi32>
      %gather3A_240 = tpu.vector_load_idx %arg12[%add3A_235, %broadcast_in_dim3A_239] : memref<512x32xf32, #tpu.memory_space<vmem>>[vector<16xi32>, vector<16xi32>], vector<16xf32>,
      %gather3A_241 = tpu.vector_load_idx %arg13[%add3A_235, %broadcast_in_dim3A_239] : memref<512x32xf32, #tpu.memory_space<vmem>>[vector<16xi32>, vector<16xi32>], vector<16xf32>,
      %mul3A_242 = arith.mulf %gather3A_240, %gather3A_241 : vector<16xf32>
      %add3A_243 = arith.addf %add3A_238, %mul3A_242 : vector<16xf32>
      %broadcast_in_dim3A_244 = arith.constant 1 : i32
      %broadcast_in_dim3A_245 = vector.broadcast %broadcast_in_dim3A_244 : i32 to vector<16xi32>
      %gather3A_246 = tpu.vector_load_idx %arg12[%add3A_235, %broadcast_in_dim3A_245] : memref<512x32xf32, #tpu.memory_space<vmem>>[vector<16xi32>, vector<16xi32>], vector<16xf32>,
      %gather3A_247 = tpu.vector_load_idx %arg13[%add3A_235, %broadcast_in_dim3A_245] : memref<512x32xf32, #tpu.memory_space<vmem>>[vector<16xi32>, vector<16xi32>], vector<16xf32>,
      %mul3A_248 = arith.mulf %gather3A_246, %gather3A_247 : vector<16xf32>
      %add3A_249 = arith.addf %add3A_243, %mul3A_248 : vector<16xf32>
      %broadcast_in_dim3A_250 = arith.constant 2 : i32
      %broadcast_in_dim3A_251 = vector.broadcast %broadcast_in_dim3A_250 : i32 to vector<16xi32>
      %gather3A_252 = tpu.vector_load_idx %arg12[%add3A_235, %broadcast_in_dim3A_251] : memref<512x32xf32, #tpu.memory_space<vmem>>[vector<16xi32>, vector<16xi32>], vector<16xf32>,
      %gather3A_253 = tpu.vector_load_idx %arg13[%add3A_235, %broadcast_in_dim3A_251] : memref<512x32xf32, #tpu.memory_space<vmem>>[vector<16xi32>, vector<16xi32>], vector<16xf32>,
      %mul3A_254 = arith.mulf %gather3A_252, %gather3A_253 : vector<16xf32>
      %add3A_255 = arith.addf %add3A_249, %mul3A_254 : vector<16xf32>
      %broadcast_in_dim3A_256 = arith.constant 3 : i32
      %broadcast_in_dim3A_257 = vector.broadcast %broadcast_in_dim3A_256 : i32 to vector<16xi32>
      %gather3A_258 = tpu.vector_load_idx %arg12[%add3A_235, %broadcast_in_dim3A_257] : memref<512x32xf32, #tpu.memory_space<vmem>>[vector<16xi32>, vector<16xi32>], vector<16xf32>,
      %gather3A_259 = tpu.vector_load_idx %arg13[%add3A_235, %broadcast_in_dim3A_257] : memref<512x32xf32, #tpu.memory_space<vmem>>[vector<16xi32>, vector<16xi32>], vector<16xf32>,
      %mul3A_260 = arith.mulf %gather3A_258, %gather3A_259 : vector<16xf32>
      %add3A_261 = arith.addf %add3A_255, %mul3A_260 : vector<16xf32>
      %broadcast_in_dim3A_262 = arith.constant 4 : i32
      %broadcast_in_dim3A_263 = vector.broadcast %broadcast_in_dim3A_262 : i32 to vector<16xi32>
      %gather3A_264 = tpu.vector_load_idx %arg12[%add3A_235, %broadcast_in_dim3A_263] : memref<512x32xf32, #tpu.memory_space<vmem>>[vector<16xi32>, vector<16xi32>], vector<16xf32>,
      %gather3A_265 = tpu.vector_load_idx %arg13[%add3A_235, %broadcast_in_dim3A_263] : memref<512x32xf32, #tpu.memory_space<vmem>>[vector<16xi32>, vector<16xi32>], vector<16xf32>,
      %mul3A_266 = arith.mulf %gather3A_264, %gather3A_265 : vector<16xf32>
      %add3A_267 = arith.addf %add3A_261, %mul3A_266 : vector<16xf32>
      %broadcast_in_dim3A_268 = arith.constant 5 : i32
      %broadcast_in_dim3A_269 = vector.broadcast %broadcast_in_dim3A_268 : i32 to vector<16xi32>
      %gather3A_270 = tpu.vector_load_idx %arg12[%add3A_235, %broadcast_in_dim3A_269] : memref<512x32xf32, #tpu.memory_space<vmem>>[vector<16xi32>, vector<16xi32>], vector<16xf32>,
      %gather3A_271 = tpu.vector_load_idx %arg13[%add3A_235, %broadcast_in_dim3A_269] : memref<512x32xf32, #tpu.memory_space<vmem>>[vector<16xi32>, vector<16xi32>], vector<16xf32>,
      %mul3A_272 = arith.mulf %gather3A_270, %gather3A_271 : vector<16xf32>
      %add3A_273 = arith.addf %add3A_267, %mul3A_272 : vector<16xf32>
      %broadcast_in_dim3A_274 = arith.constant 6 : i32
      %broadcast_in_dim3A_275 = vector.broadcast %broadcast_in_dim3A_274 : i32 to vector<16xi32>
      %gather3A_276 = tpu.vector_load_idx %arg12[%add3A_235, %broadcast_in_dim3A_275] : memref<512x32xf32, #tpu.memory_space<vmem>>[vector<16xi32>, vector<16xi32>], vector<16xf32>,
      %gather3A_277 = tpu.vector_load_idx %arg13[%add3A_235, %broadcast_in_dim3A_275] : memref<512x32xf32, #tpu.memory_space<vmem>>[vector<16xi32>, vector<16xi32>], vector<16xf32>,
      %mul3A_278 = arith.mulf %gather3A_276, %gather3A_277 : vector<16xf32>
      %add3A_279 = arith.addf %add3A_273, %mul3A_278 : vector<16xf32>
      %broadcast_in_dim3A_280 = arith.constant 7 : i32
      %broadcast_in_dim3A_281 = vector.broadcast %broadcast_in_dim3A_280 : i32 to vector<16xi32>
      %gather3A_282 = tpu.vector_load_idx %arg12[%add3A_235, %broadcast_in_dim3A_281] : memref<512x32xf32, #tpu.memory_space<vmem>>[vector<16xi32>, vector<16xi32>], vector<16xf32>,
      %gather3A_283 = tpu.vector_load_idx %arg13[%add3A_235, %broadcast_in_dim3A_281] : memref<512x32xf32, #tpu.memory_space<vmem>>[vector<16xi32>, vector<16xi32>], vector<16xf32>,
      %mul3A_284 = arith.mulf %gather3A_282, %gather3A_283 : vector<16xf32>
      %add3A_285 = arith.addf %add3A_279, %mul3A_284 : vector<16xf32>
      %broadcast_in_dim3A_286 = arith.constant 8 : i32
      %broadcast_in_dim3A_287 = vector.broadcast %broadcast_in_dim3A_286 : i32 to vector<16xi32>
      %gather3A_288 = tpu.vector_load_idx %arg12[%add3A_235, %broadcast_in_dim3A_287] : memref<512x32xf32, #tpu.memory_space<vmem>>[vector<16xi32>, vector<16xi32>], vector<16xf32>,
      %gather3A_289 = tpu.vector_load_idx %arg13[%add3A_235, %broadcast_in_dim3A_287] : memref<512x32xf32, #tpu.memory_space<vmem>>[vector<16xi32>, vector<16xi32>], vector<16xf32>,
      %mul3A_290 = arith.mulf %gather3A_288, %gather3A_289 : vector<16xf32>
      %add3A_291 = arith.addf %add3A_285, %mul3A_290 : vector<16xf32>
      %broadcast_in_dim3A_292 = arith.constant 9 : i32
      %broadcast_in_dim3A_293 = vector.broadcast %broadcast_in_dim3A_292 : i32 to vector<16xi32>
      %gather3A_294 = tpu.vector_load_idx %arg12[%add3A_235, %broadcast_in_dim3A_293] : memref<512x32xf32, #tpu.memory_space<vmem>>[vector<16xi32>, vector<16xi32>], vector<16xf32>,
      %gather3A_295 = tpu.vector_load_idx %arg13[%add3A_235, %broadcast_in_dim3A_293] : memref<512x32xf32, #tpu.memory_space<vmem>>[vector<16xi32>, vector<16xi32>], vector<16xf32>,
      %mul3A_296 = arith.mulf %gather3A_294, %gather3A_295 : vector<16xf32>
      %add3A_297 = arith.addf %add3A_291, %mul3A_296 : vector<16xf32>
      %broadcast_in_dim3A_298 = arith.constant 10 : i32
      %broadcast_in_dim3A_299 = vector.broadcast %broadcast_in_dim3A_298 : i32 to vector<16xi32>
      %gather3A_300 = tpu.vector_load_idx %arg12[%add3A_235, %broadcast_in_dim3A_299] : memref<512x32xf32, #tpu.memory_space<vmem>>[vector<16xi32>, vector<16xi32>], vector<16xf32>,
      %gather3A_301 = tpu.vector_load_idx %arg13[%add3A_235, %broadcast_in_dim3A_299] : memref<512x32xf32, #tpu.memory_space<vmem>>[vector<16xi32>, vector<16xi32>], vector<16xf32>,
      %mul3A_302 = arith.mulf %gather3A_300, %gather3A_301 : vector<16xf32>
      %add3A_303 = arith.addf %add3A_297, %mul3A_302 : vector<16xf32>
      %broadcast_in_dim3A_304 = arith.constant 11 : i32
      %broadcast_in_dim3A_305 = vector.broadcast %broadcast_in_dim3A_304 : i32 to vector<16xi32>
      %gather3A_306 = tpu.vector_load_idx %arg12[%add3A_235, %broadcast_in_dim3A_305] : memref<512x32xf32, #tpu.memory_space<vmem>>[vector<16xi32>, vector<16xi32>], vector<16xf32>,
      %gather3A_307 = tpu.vector_load_idx %arg13[%add3A_235, %broadcast_in_dim3A_305] : memref<512x32xf32, #tpu.memory_space<vmem>>[vector<16xi32>, vector<16xi32>], vector<16xf32>,
      %mul3A_308 = arith.mulf %gather3A_306, %gather3A_307 : vector<16xf32>
      %add3A_309 = arith.addf %add3A_303, %mul3A_308 : vector<16xf32>
      %broadcast_in_dim3A_310 = arith.constant 12 : i32
      %broadcast_in_dim3A_311 = vector.broadcast %broadcast_in_dim3A_310 : i32 to vector<16xi32>
      %gather3A_312 = tpu.vector_load_idx %arg12[%add3A_235, %broadcast_in_dim3A_311] : memref<512x32xf32, #tpu.memory_space<vmem>>[vector<16xi32>, vector<16xi32>], vector<16xf32>,
      %gather3A_313 = tpu.vector_load_idx %arg13[%add3A_235, %broadcast_in_dim3A_311] : memref<512x32xf32, #tpu.memory_space<vmem>>[vector<16xi32>, vector<16xi32>], vector<16xf32>,
      %mul3A_314 = arith.mulf %gather3A_312, %gather3A_313 : vector<16xf32>
      %add3A_315 = arith.addf %add3A_309, %mul3A_314 : vector<16xf32>
      %broadcast_in_dim3A_316 = arith.constant 13 : i32
      %broadcast_in_dim3A_317 = vector.broadcast %broadcast_in_dim3A_316 : i32 to vector<16xi32>
      %gather3A_318 = tpu.vector_load_idx %arg12[%add3A_235, %broadcast_in_dim3A_317] : memref<512x32xf32, #tpu.memory_space<vmem>>[vector<16xi32>, vector<16xi32>], vector<16xf32>,
      %gather3A_319 = tpu.vector_load_idx %arg13[%add3A_235, %broadcast_in_dim3A_317] : memref<512x32xf32, #tpu.memory_space<vmem>>[vector<16xi32>, vector<16xi32>], vector<16xf32>,
      %mul3A_320 = arith.mulf %gather3A_318, %gather3A_319 : vector<16xf32>
      %add3A_321 = arith.addf %add3A_315, %mul3A_320 : vector<16xf32>
      %broadcast_in_dim3A_322 = arith.constant 14 : i32
      %broadcast_in_dim3A_323 = vector.broadcast %broadcast_in_dim3A_322 : i32 to vector<16xi32>
      %gather3A_324 = tpu.vector_load_idx %arg12[%add3A_235, %broadcast_in_dim3A_323] : memref<512x32xf32, #tpu.memory_space<vmem>>[vector<16xi32>, vector<16xi32>], vector<16xf32>,
      %gather3A_325 = tpu.vector_load_idx %arg13[%add3A_235, %broadcast_in_dim3A_323] : memref<512x32xf32, #tpu.memory_space<vmem>>[vector<16xi32>, vector<16xi32>], vector<16xf32>,
      %mul3A_326 = arith.mulf %gather3A_324, %gather3A_325 : vector<16xf32>
      %add3A_327 = arith.addf %add3A_321, %mul3A_326 : vector<16xf32>
      %broadcast_in_dim3A_328 = arith.constant 15 : i32
      %broadcast_in_dim3A_329 = vector.broadcast %broadcast_in_dim3A_328 : i32 to vector<16xi32>
      %gather3A_330 = tpu.vector_load_idx %arg12[%add3A_235, %broadcast_in_dim3A_329] : memref<512x32xf32, #tpu.memory_space<vmem>>[vector<16xi32>, vector<16xi32>], vector<16xf32>,
      %gather3A_331 = tpu.vector_load_idx %arg13[%add3A_235, %broadcast_in_dim3A_329] : memref<512x32xf32, #tpu.memory_space<vmem>>[vector<16xi32>, vector<16xi32>], vector<16xf32>,
      %mul3A_332 = arith.mulf %gather3A_330, %gather3A_331 : vector<16xf32>
      %add3A_333 = arith.addf %add3A_327, %mul3A_332 : vector<16xf32>
      %broadcast_in_dim3A_334 = arith.constant 16 : i32
      %broadcast_in_dim3A_335 = vector.broadcast %broadcast_in_dim3A_334 : i32 to vector<16xi32>
      %gather3A_336 = tpu.vector_load_idx %arg12[%add3A_235, %broadcast_in_dim3A_335] : memref<512x32xf32, #tpu.memory_space<vmem>>[vector<16xi32>, vector<16xi32>], vector<16xf32>,
      %gather3A_337 = tpu.vector_load_idx %arg13[%add3A_235, %broadcast_in_dim3A_335] : memref<512x32xf32, #tpu.memory_space<vmem>>[vector<16xi32>, vector<16xi32>], vector<16xf32>,
      %mul3A_338 = arith.mulf %gather3A_336, %gather3A_337 : vector<16xf32>
      %add3A_339 = arith.addf %add3A_333, %mul3A_338 : vector<16xf32>
      %broadcast_in_dim3A_340 = arith.constant 17 : i32
      %broadcast_in_dim3A_341 = vector.broadcast %broadcast_in_dim3A_340 : i32 to vector<16xi32>
      %gather3A_342 = tpu.vector_load_idx %arg12[%add3A_235, %broadcast_in_dim3A_341] : memref<512x32xf32, #tpu.memory_space<vmem>>[vector<16xi32>, vector<16xi32>], vector<16xf32>,
      %gather3A_343 = tpu.vector_load_idx %arg13[%add3A_235, %broadcast_in_dim3A_341] : memref<512x32xf32, #tpu.memory_space<vmem>>[vector<16xi32>, vector<16xi32>], vector<16xf32>,
      %mul3A_344 = arith.mulf %gather3A_342, %gather3A_343 : vector<16xf32>
      %add3A_345 = arith.addf %add3A_339, %mul3A_344 : vector<16xf32>
      %broadcast_in_dim3A_346 = arith.constant 18 : i32
      %broadcast_in_dim3A_347 = vector.broadcast %broadcast_in_dim3A_346 : i32 to vector<16xi32>
      %gather3A_348 = tpu.vector_load_idx %arg12[%add3A_235, %broadcast_in_dim3A_347] : memref<512x32xf32, #tpu.memory_space<vmem>>[vector<16xi32>, vector<16xi32>], vector<16xf32>,
      %gather3A_349 = tpu.vector_load_idx %arg13[%add3A_235, %broadcast_in_dim3A_347] : memref<512x32xf32, #tpu.memory_space<vmem>>[vector<16xi32>, vector<16xi32>], vector<16xf32>,
      %mul3A_350 = arith.mulf %gather3A_348, %gather3A_349 : vector<16xf32>
      %add3A_351 = arith.addf %add3A_345, %mul3A_350 : vector<16xf32>
      %broadcast_in_dim3A_352 = arith.constant 19 : i32
      %broadcast_in_dim3A_353 = vector.broadcast %broadcast_in_dim3A_352 : i32 to vector<16xi32>
      %gather3A_354 = tpu.vector_load_idx %arg12[%add3A_235, %broadcast_in_dim3A_353] : memref<512x32xf32, #tpu.memory_space<vmem>>[vector<16xi32>, vector<16xi32>], vector<16xf32>,
      %gather3A_355 = tpu.vector_load_idx %arg13[%add3A_235, %broadcast_in_dim3A_353] : memref<512x32xf32, #tpu.memory_space<vmem>>[vector<16xi32>, vector<16xi32>], vector<16xf32>,
      %mul3A_356 = arith.mulf %gather3A_354, %gather3A_355 : vector<16xf32>
      %add3A_357 = arith.addf %add3A_351, %mul3A_356 : vector<16xf32>
      %broadcast_in_dim3A_358 = arith.constant 20 : i32
      %broadcast_in_dim3A_359 = vector.broadcast %broadcast_in_dim3A_358 : i32 to vector<16xi32>
      %gather3A_360 = tpu.vector_load_idx %arg12[%add3A_235, %broadcast_in_dim3A_359] : memref<512x32xf32, #tpu.memory_space<vmem>>[vector<16xi32>, vector<16xi32>], vector<16xf32>,
      %gather3A_361 = tpu.vector_load_idx %arg13[%add3A_235, %broadcast_in_dim3A_359] : memref<512x32xf32, #tpu.memory_space<vmem>>[vector<16xi32>, vector<16xi32>], vector<16xf32>,
      %mul3A_362 = arith.mulf %gather3A_360, %gather3A_361 : vector<16xf32>
      %add3A_363 = arith.addf %add3A_357, %mul3A_362 : vector<16xf32>
      %broadcast_in_dim3A_364 = arith.constant 21 : i32
      %broadcast_in_dim3A_365 = vector.broadcast %broadcast_in_dim3A_364 : i32 to vector<16xi32>
      %gather3A_366 = tpu.vector_load_idx %arg12[%add3A_235, %broadcast_in_dim3A_365] : memref<512x32xf32, #tpu.memory_space<vmem>>[vector<16xi32>, vector<16xi32>], vector<16xf32>,
      %gather3A_367 = tpu.vector_load_idx %arg13[%add3A_235, %broadcast_in_dim3A_365] : memref<512x32xf32, #tpu.memory_space<vmem>>[vector<16xi32>, vector<16xi32>], vector<16xf32>,
      %mul3A_368 = arith.mulf %gather3A_366, %gather3A_367 : vector<16xf32>
      %add3A_369 = arith.addf %add3A_363, %mul3A_368 : vector<16xf32>
      %broadcast_in_dim3A_370 = arith.constant 22 : i32
      %broadcast_in_dim3A_371 = vector.broadcast %broadcast_in_dim3A_370 : i32 to vector<16xi32>
      %gather3A_372 = tpu.vector_load_idx %arg12[%add3A_235, %broadcast_in_dim3A_371] : memref<512x32xf32, #tpu.memory_space<vmem>>[vector<16xi32>, vector<16xi32>], vector<16xf32>,
      %gather3A_373 = tpu.vector_load_idx %arg13[%add3A_235, %broadcast_in_dim3A_371] : memref<512x32xf32, #tpu.memory_space<vmem>>[vector<16xi32>, vector<16xi32>], vector<16xf32>,
      %mul3A_374 = arith.mulf %gather3A_372, %gather3A_373 : vector<16xf32>
      %add3A_375 = arith.addf %add3A_369, %mul3A_374 : vector<16xf32>
      %broadcast_in_dim3A_376 = arith.constant 23 : i32
      %broadcast_in_dim3A_377 = vector.broadcast %broadcast_in_dim3A_376 : i32 to vector<16xi32>
      %gather3A_378 = tpu.vector_load_idx %arg12[%add3A_235, %broadcast_in_dim3A_377] : memref<512x32xf32, #tpu.memory_space<vmem>>[vector<16xi32>, vector<16xi32>], vector<16xf32>,
      %gather3A_379 = tpu.vector_load_idx %arg13[%add3A_235, %broadcast_in_dim3A_377] : memref<512x32xf32, #tpu.memory_space<vmem>>[vector<16xi32>, vector<16xi32>], vector<16xf32>,
      %mul3A_380 = arith.mulf %gather3A_378, %gather3A_379 : vector<16xf32>
      %add3A_381 = arith.addf %add3A_375, %mul3A_380 : vector<16xf32>
      %broadcast_in_dim3A_382 = arith.constant 24 : i32
      %broadcast_in_dim3A_383 = vector.broadcast %broadcast_in_dim3A_382 : i32 to vector<16xi32>
      %gather3A_384 = tpu.vector_load_idx %arg12[%add3A_235, %broadcast_in_dim3A_383] : memref<512x32xf32, #tpu.memory_space<vmem>>[vector<16xi32>, vector<16xi32>], vector<16xf32>,
      %gather3A_385 = tpu.vector_load_idx %arg13[%add3A_235, %broadcast_in_dim3A_383] : memref<512x32xf32, #tpu.memory_space<vmem>>[vector<16xi32>, vector<16xi32>], vector<16xf32>,
      %mul3A_386 = arith.mulf %gather3A_384, %gather3A_385 : vector<16xf32>
      %add3A_387 = arith.addf %add3A_381, %mul3A_386 : vector<16xf32>
      %broadcast_in_dim3A_388 = arith.constant 25 : i32
      %broadcast_in_dim3A_389 = vector.broadcast %broadcast_in_dim3A_388 : i32 to vector<16xi32>
      %gather3A_390 = tpu.vector_load_idx %arg12[%add3A_235, %broadcast_in_dim3A_389] : memref<512x32xf32, #tpu.memory_space<vmem>>[vector<16xi32>, vector<16xi32>], vector<16xf32>,
      %gather3A_391 = tpu.vector_load_idx %arg13[%add3A_235, %broadcast_in_dim3A_389] : memref<512x32xf32, #tpu.memory_space<vmem>>[vector<16xi32>, vector<16xi32>], vector<16xf32>,
      %mul3A_392 = arith.mulf %gather3A_390, %gather3A_391 : vector<16xf32>
      %add3A_393 = arith.addf %add3A_387, %mul3A_392 : vector<16xf32>
      %broadcast_in_dim3A_394 = arith.constant 26 : i32
      %broadcast_in_dim3A_395 = vector.broadcast %broadcast_in_dim3A_394 : i32 to vector<16xi32>
      %gather3A_396 = tpu.vector_load_idx %arg12[%add3A_235, %broadcast_in_dim3A_395] : memref<512x32xf32, #tpu.memory_space<vmem>>[vector<16xi32>, vector<16xi32>], vector<16xf32>,
      %gather3A_397 = tpu.vector_load_idx %arg13[%add3A_235, %broadcast_in_dim3A_395] : memref<512x32xf32, #tpu.memory_space<vmem>>[vector<16xi32>, vector<16xi32>], vector<16xf32>,
      %mul3A_398 = arith.mulf %gather3A_396, %gather3A_397 : vector<16xf32>
      %add3A_399 = arith.addf %add3A_393, %mul3A_398 : vector<16xf32>
      %broadcast_in_dim3A_400 = arith.constant 27 : i32
      %broadcast_in_dim3A_401 = vector.broadcast %broadcast_in_dim3A_400 : i32 to vector<16xi32>
      %gather3A_402 = tpu.vector_load_idx %arg12[%add3A_235, %broadcast_in_dim3A_401] : memref<512x32xf32, #tpu.memory_space<vmem>>[vector<16xi32>, vector<16xi32>], vector<16xf32>,
      %gather3A_403 = tpu.vector_load_idx %arg13[%add3A_235, %broadcast_in_dim3A_401] : memref<512x32xf32, #tpu.memory_space<vmem>>[vector<16xi32>, vector<16xi32>], vector<16xf32>,
      %mul3A_404 = arith.mulf %gather3A_402, %gather3A_403 : vector<16xf32>
      %add3A_405 = arith.addf %add3A_399, %mul3A_404 : vector<16xf32>
      %broadcast_in_dim3A_406 = arith.constant 28 : i32
      %broadcast_in_dim3A_407 = vector.broadcast %broadcast_in_dim3A_406 : i32 to vector<16xi32>
      %gather3A_408 = tpu.vector_load_idx %arg12[%add3A_235, %broadcast_in_dim3A_407] : memref<512x32xf32, #tpu.memory_space<vmem>>[vector<16xi32>, vector<16xi32>], vector<16xf32>,
      %gather3A_409 = tpu.vector_load_idx %arg13[%add3A_235, %broadcast_in_dim3A_407] : memref<512x32xf32, #tpu.memory_space<vmem>>[vector<16xi32>, vector<16xi32>], vector<16xf32>,
      %mul3A_410 = arith.mulf %gather3A_408, %gather3A_409 : vector<16xf32>
      %add3A_411 = arith.addf %add3A_405, %mul3A_410 : vector<16xf32>
      %broadcast_in_dim3A_412 = arith.constant 29 : i32
      %broadcast_in_dim3A_413 = vector.broadcast %broadcast_in_dim3A_412 : i32 to vector<16xi32>
      %gather3A_414 = tpu.vector_load_idx %arg12[%add3A_235, %broadcast_in_dim3A_413] : memref<512x32xf32, #tpu.memory_space<vmem>>[vector<16xi32>, vector<16xi32>], vector<16xf32>,
      %gather3A_415 = tpu.vector_load_idx %arg13[%add3A_235, %broadcast_in_dim3A_413] : memref<512x32xf32, #tpu.memory_space<vmem>>[vector<16xi32>, vector<16xi32>], vector<16xf32>,
      %mul3A_416 = arith.mulf %gather3A_414, %gather3A_415 : vector<16xf32>
      %add3A_417 = arith.addf %add3A_411, %mul3A_416 : vector<16xf32>
      %broadcast_in_dim3A_418 = arith.constant 30 : i32
      %broadcast_in_dim3A_419 = vector.broadcast %broadcast_in_dim3A_418 : i32 to vector<16xi32>
      %gather3A_420 = tpu.vector_load_idx %arg12[%add3A_235, %broadcast_in_dim3A_419] : memref<512x32xf32, #tpu.memory_space<vmem>>[vector<16xi32>, vector<16xi32>], vector<16xf32>,
      %gather3A_421 = tpu.vector_load_idx %arg13[%add3A_235, %broadcast_in_dim3A_419] : memref<512x32xf32, #tpu.memory_space<vmem>>[vector<16xi32>, vector<16xi32>], vector<16xf32>,
      %mul3A_422 = arith.mulf %gather3A_420, %gather3A_421 : vector<16xf32>
      %add3A_423 = arith.addf %add3A_417, %mul3A_422 : vector<16xf32>
      %broadcast_in_dim3A_424 = arith.constant 31 : i32
      %broadcast_in_dim3A_425 = vector.broadcast %broadcast_in_dim3A_424 : i32 to vector<16xi32>
      %gather3A_426 = tpu.vector_load_idx %arg12[%add3A_235, %broadcast_in_dim3A_425] : memref<512x32xf32, #tpu.memory_space<vmem>>[vector<16xi32>, vector<16xi32>], vector<16xf32>,
      %gather3A_427 = tpu.vector_load_idx %arg13[%add3A_235, %broadcast_in_dim3A_425] : memref<512x32xf32, #tpu.memory_space<vmem>>[vector<16xi32>, vector<16xi32>], vector<16xf32>,
      %mul3A_428 = arith.mulf %gather3A_426, %gather3A_427 : vector<16xf32>
      %add3A_429 = arith.addf %add3A_423, %mul3A_428 : vector<16xf32>
      tpu.vector_store_idx %arg17[%add3A_235], %add3A_429 : memref<512xf32, #tpu.memory_space<vmem>>[vector<16xi32>], vector<16xf32>,
    }
    %scan3A_230 = arith.constant 32 : i32
    "tpu.region"() ({
      %run_scoped3A = tpu.sem_alloc : memref<!tpu.dma_semaphore, #tpu.memory_space<semaphore_mem>>
      %dma_start3A_231 = tpu.memref_slice %arg9[%mul3A_2] : memref<16384xf32, #tpu.memory_space<hbm>> -> memref<512xf32, #tpu.memory_space<hbm>>
      %dma_start3A_232 = tpu.memref_slice %arg9[%mul3A_2] : memref<16384xf32, #tpu.memory_space<hbm>> -> memref<512xf32, #tpu.memory_space<hbm>>
      tpu.enqueue_dma source(%arg17 : memref<512xf32, #tpu.memory_space<vmem>>) target(%dma_start3A_232 : memref<512xf32, #tpu.memory_space<hbm>>) target_semaphore(%run_scoped3A : memref<!tpu.dma_semaphore, #tpu.memory_space<semaphore_mem>>)
      %dma_wait3A_233 = tpu.memref_slice %arg9[%mul3A_2] : memref<16384xf32, #tpu.memory_space<hbm>> -> memref<512xf32, #tpu.memory_space<hbm>>
      %dma_wait3A_234 = tpu.memref_slice %arg9[%mul3A_2] : memref<16384xf32, #tpu.memory_space<hbm>> -> memref<512xf32, #tpu.memory_space<hbm>>
      tpu.wait_dma2 semaphore(%run_scoped3A : memref<!tpu.dma_semaphore, #tpu.memory_space<semaphore_mem>>) src(%arg17 : memref<512xf32, #tpu.memory_space<vmem>>) dst(%dma_wait3A_234 : memref<512xf32, #tpu.memory_space<hbm>>)
      tpu.yield
    }) : () -> ()
    return
  }
}

</mosaic_0001>

<sc_bundles>
// kernel: kernel.3.cloned.1.call-start
scs
__scs_entry_jumppad:
0x0: {  	(pc) =	sbr.rel $0x88, $3  }
0x1: {  	(tag) =	ssettag $0x0;
	lr =	simm.s32 $0x1  }
0x2: {  	[smem:$0x3F9A] =	sst lr;
	_ =	strace $0xD0000000  }
0x3: {  	_ = 	snop  }
0x4: {  	_ = 	snop  }
0x5: {  	_ = 	snop  }
0x6: {  	_ = 	snop  }
0x7: {  	_ = 	snop  }
__scs_overlays_trampoline_lowered:
0x8: {  	[smem:$0x3FA9] =	sst s0  }
0x9: {  	[smem:$0x3FAA] =	sst s1  }
0xa: {  	[smem:$0x3FAB] =	sst s2  }
0xb: {  	[smem:$0x3FAC] =	sst s3  }
0xc: {  	[smem:$0x3FAD] =	sst s4  }
0xd: {  	[smem:$0x3FAE] =	sst s5  }
0xe: {  	[smem:$0x3FAF] =	sst s6  }
0xf: {  	[smem:$0x3FB0] =	sst s7  }
0x10: {  	[smem:$0x3FB1] =	sst s8  }
0x11: {  	[smem:$0x3FB2] =	sst s9;
	s0 =	simm.s32 @!p0 $0x0  }
0x12: {  	s1 =	sld [smem:$0x3F98];
	s0 =	simm.s32 @p0 $0x1  }
0x13: {  	[smem:$0x3FB3] =	sst s0;
	s0 =	simm.s32 @!p1 $0x0  }
0x14: {  	s2 =	sld [smem:$0x3F97];
	s0 =	simm.s32 @p1 $0x1  }
0x15: {  	[smem:$0x3FB4] =	sst s0;
	s0 =	simm.s32 @!p2 $0x0  }
0x16: {  	s3 =	sld [smem:$0x3FDB];
	s0 =	simm.s32 @p2 $0x1  }
0x17: {  	s4 =	simm.s32 $0x1BF5;
	[smem:$0x3FB6] =	sst s0  }
0x18: {  	s0 =	sld [smem:$0x3F99];
	_ =	swait.ge [sflag:s4], $0x0  }
0x19: {  	s7 =	sld [smem:$0x3F9A]  }
0x1a: {  	s8 =	sadd.s32 $0xFFFFE003, lr  }
0x1b: {  	s9 =	sadd.s32 $0xFFFFFEF7, lr;
	s5 =	simm.s32 $0xFFFFFFFF;
	p2 =	slt.u32 s8, $0xFFFFF086  }
0x1c: {  	p1 =	slt.u32 s9, $0xF7A;
	s5 =	simm.s32 @!p2 $0x0  }
0x1d: {  	s5 =	simm.s32 @p1 $0x1;
	p0 =	seq.s32 s7, s2  }
0x1e: {  	s7 =	smul.u32 @!p0 $0xF7A, s2;
	p2 =	seq.s32 @!p0 s5, $0x0  }
0x1f: {  	s9 =	smul.u32 $0xF7A, s1;
	s8 =	simm.s32 @!p0 $0x1BF5;
	p2 =	por !p2, p0  }
0x20: {  	[sflag:s8] =	ssyncset.s32 @!p0 $0xFFFFF086;
	s6 =	sadd.s32 @!p0 s3, s7;
	s7 =	simm.s32 @!p0 $0x108  }
0x21: {  	s3 =	sadd.s32 s3, s9;
	s6 =	sadd.s32 @!p0 $0x88, s6;
	s7 =	simm.s32 @p2 $0x1082  }
0x22: {  	[simem:s7], [sflag:s8] =	dma.local @!p0 [hbm:s6], $0xF7A  }
0x23: {  	s9 =	sor.u32 $0xD0000000, s2;
	s6 =	simm.s32 $0x108;
	_ =	swait.ge @!p0 [sflag:s8], $0x0  }
0x24: {  	s3 =	sadd.s32 $0x88, s3;
	s6 =	simm.s32 @!p1 $0x1082;
	[sflag:s4] =	ssyncset.s32 $0xFFFFF086  }
0x25: {  	[simem:s6], [sflag:s4] =	dma.local [hbm:s3], $0xF7A  }
0x26: {  	[smem:$0x3F9A] =	sst s1;
	(tag) =	ssettag s2;
	_ =	strace s9  }
0x27: {  	s1 =	sld [smem:$0x3FAA]  }
0x28: {  	s2 =	sld [smem:$0x3FAB]  }
0x29: {  	s4 =	sld [smem:$0x3FAD]  }
0x2a: {  	p0 =	seq.s32 s5, $0x0;
	s5 =	sld [smem:$0x3FAE]  }
0x2b: {  	s6 =	sld [smem:$0x3FAF]  }
0x2c: {  	s7 =	sld [smem:$0x3FB0]  }
0x2d: {  	s3 =	simm.s32 $0x108;
	s8 =	sld [smem:$0x3FB1]  }
0x2e: {  	s3 =	simm.s32 @!p0 $0x1082;
	s9 =	sld [smem:$0x3FB2]  }
0x2f: {  	lr =	sadd.s32 s0, s3;
	s0 =	sld [smem:$0x3FA9]  }
0x30: {  	s3 =	sld [smem:$0x3FAC]  }
0x31: {  	[smem:$0x3FB5] =	sst s10  }
0x32: {  	s10 =	sld [smem:$0x3FB3];
	_ =	sdelay $0x3  }
0x33: {  	p0 =	seq.s32 s10, $0x1;
	s10 =	sld [smem:$0x3FB5];
	_ =	sdelay $0x3  }
0x34: {  	[smem:$0x3FB5] =	sst s10  }
0x35: {  	s10 =	sld [smem:$0x3FB4];
	_ =	sdelay $0x3  }
0x36: {  	p1 =	seq.s32 s10, $0x1;
	s10 =	sld [smem:$0x3FB5];
	_ =	sdelay $0x3  }
0x37: {  	[smem:$0x3FB5] =	sst s10  }
0x38: {  	s10 =	sld [smem:$0x3FB6]  }
0x39: {  	_ = 	snop;
	(pc) =	sbr.ind lr, $3  }
0x3a: {  	_ = 	snop  }
0x3b: {  	_ = 	snop  }
0x3c: {  	p2 =	seq.s32 s10, $0x1;
	s10 =	sld [smem:$0x3FB5]  }
0x3d: {  	_ =	shalt  }
0x3e: {  	_ =	shalt  }
0x3f: {  	_ =	shalt  }
0x40: {  	_ =	shalt  }
0x41: {  	_ =	shalt  }
0x42: {  	_ =	shalt  }
0x43: {  	_ =	shalt  }
0x44: {  	_ =	shalt  }
0x45: {  	_ =	shalt  }
0x46: {  	_ =	shalt  }
0x47: {  	_ =	shalt  }
0x48: {  	_ =	shalt  }
0x49: {  	_ =	shalt  }
0x4a: {  	_ =	shalt  }
0x4b: {  	_ =	shalt  }
0x4c: {  	_ =	shalt  }
0x4d: {  	_ =	shalt  }
0x4e: {  	_ =	shalt  }
0x4f: {  	_ =	shalt  }
0x50: {  	_ =	shalt  }
0x51: {  	_ =	shalt  }
0x52: {  	_ =	shalt  }
0x53: {  	_ =	shalt  }
0x54: {  	_ =	shalt  }
0x55: {  	_ =	shalt  }
0x56: {  	_ =	shalt  }
0x57: {  	_ =	shalt  }
0x58: {  	_ =	shalt  }
0x59: {  	_ =	shalt  }
0x5a: {  	_ =	shalt  }
0x5b: {  	_ =	shalt  }
0x5c: {  	_ =	shalt  }
0x5d: {  	_ =	shalt  }
0x5e: {  	_ =	shalt  }
0x5f: {  	_ =	shalt  }
0x60: {  	_ =	shalt  }
0x61: {  	_ =	shalt  }
0x62: {  	_ =	shalt  }
0x63: {  	_ =	shalt  }
0x64: {  	_ =	shalt  }
0x65: {  	_ =	shalt  }
0x66: {  	_ =	shalt  }
0x67: {  	_ =	shalt  }
0x68: {  	_ =	shalt  }
0x69: {  	_ =	shalt  }
0x6a: {  	_ =	shalt  }
0x6b: {  	_ =	shalt  }
0x6c: {  	_ =	shalt  }
0x6d: {  	_ =	shalt  }
0x6e: {  	_ =	shalt  }
0x6f: {  	_ =	shalt  }
0x70: {  	_ =	shalt  }
0x71: {  	_ =	shalt  }
0x72: {  	_ =	shalt  }
0x73: {  	_ =	shalt  }
0x74: {  	_ =	shalt  }
0x75: {  	_ =	shalt  }
0x76: {  	_ =	shalt  }
0x77: {  	_ =	shalt  }
0x78: {  	_ =	shalt  }
0x79: {  	_ =	shalt  }
0x7a: {  	_ =	shalt  }
0x7b: {  	_ =	shalt  }
0x7c: {  	_ =	shalt  }
0x7d: {  	_ =	shalt  }
0x7e: {  	_ =	shalt  }
0x7f: {  	_ =	shalt  }
0x80: {  	_ =	shalt  }
0x81: {  	_ =	shalt  }
0x82: {  	_ =	shalt  }
0x83: {  	_ =	shalt  }
0x84: {  	_ =	shalt  }
0x85: {  	_ =	shalt  }
0x86: {  	_ =	shalt  }
0x87: {  	_ =	shalt  }
.Lfunc_end0:
.L_simem_size_0:
called_computation_lowered:
.L_overlay_start_0:
0x88: {  	s2 =	sld [smem:$0x3FD9]  }
0x89: {  	s3 =	sld [smem:$0x3FFE];
	_ =	sdelay $0x1  }
0x8a: {  	s1 =	srdreg.scid  }
0x8b: {  	s0 =	sand.u32 $0x1, s1  }
0x8c: {  	s17 =	sshll.u32 s0, $0xA;
	s2 =	sadd.s32 s3, s2  }
0x8d: {  	s2 =	sadd.s32 s2, s17  }
0x8e: {  	[smem:$0x3FC1] =	sst s2  }
0x8f: {  	_ = 	snop  }
0x90: {  	s2 =	sld [smem:$0x3FC9]  }
0x91: {  	s18 =	sld [smem:$0x3FC8]  }
0x92: {  	s4 =	sld [smem:$0x3FD0];
	(tm) =	ssettm $0x1  }
0x93: {  	s5 =	sld [smem:$0x3FFB];
	_ =	sdelay $0x3  }
0x94: {  	_ =	strace s5  }
0x95: {  	s5 =	sld [smem:$0x3FFC];
	_ =	sdelay $0x3  }
0x96: {  	_ =	strace s5  }
0x97: {  	s5 =	sld [smem:$0x3FFD];
	_ =	sdelay $0x3  }
0x98: {  	_ =	strace s5  }
0x99: {  	_ =	strace $0x8FFFFFFF  }
0x9a: {  	s19 =	sld [smem:$0x3FDB];
	_ =	sdelay $0x1  }
0x9b: {  	s6 =	simm.s32 $_scs_section_size  }
0x9c: {  	s7 =	simm.s32 $_size__tile_overlayer_lowered;
	s8 =	simm.s32 $_tile_overlayer_lowered  }
0x9d: {  	s22 =	simm.s32 $0x1BFF;
	s21 =	sshll.u32 s8, $0x1;
	s5 =	sadd.s32 s6, s19  }
0x9e: {  	s9 =	simm.s32 $0x0;
	s20 =	sshll.u32 s7, $0x1;
	s7 =	sadd.s32 s21, s5  }
0x9f: {  	[timem:s9], [sflag:s22] =	dma.local [hbm:s7], s20  }
0xa0: {  	_ =	swait.ge [sflag:s22], s20  }
0xa1: {  	s6 =	ssub.s32 $0x0, s20;
	[sflag:s22] =	ssyncset.done $0x0  }
0xa2: {  	[sflag:s22] =	ssyncadd.s32 s6;
	_ =	sdelay $0x1  }
0xa3: {  	s23 =	simm.s32 $0x1B8B  }
0xa4: {  	_ =	swait.ge [sflag:s23], $0x1  }
0xa5: {  	[sflag:s23] =	ssyncset.done $0x0  }
0xa6: {  	s25 =	simm.s32 $0x1B8E;
	s24 =	sld [smem:$0x3FFE];
	[sflag:s23] =	ssyncadd.s32 $0xFFFFFFFF  }
0xa7: {  	s26 =	simm.s32 $execute0_lowered;
	[smem:$0x3FD2] =	sst s25  }
0xa8: {  	s7 =	sshll.u32 s26, $0x1;
	_ =	strace $0x80000046;
	[dreg:$0x1] =	wrdreg $0xFFFFFFFF  }
0xa9: {  	s28 =	simm.s32 $_size_execute0_lowered;
	s5 =	sadd.s32 s5, s7;
	[dreg:$0x0] =	wrdreg $0x0  }
0xaa: {  	s7 =	sshll.u32 s28, $0x1;
	[dreg:$0x2] =	wrdreg s5  }
0xab: {  	[dreg:$0x3] =	wrdreg s7  }
0xac: {  	[dreg:$0x4] =	wrdreg $0xC0  }
0xad: {  	_ =	task [dreg:s9], $0x5FFFF  }
0xae: {  	[dreg:$0x1] =	wrdreg $0xFFFFFFFF  }
0xaf: {  	[dreg:$0x0] =	wrdreg $0x60  }
0xb0: {  	[dreg:$0x2] =	wrdreg s2  }
0xb1: {  	[dreg:$0x3] =	wrdreg s18  }
0xb2: {  	[dreg:$0x4] =	wrdreg s24  }
0xb3: {  	[dreg:$0x5] =	wrdreg s4  }
0xb4: {  	[dreg:$0x6] =	wrdreg $0x9  }
0xb5: {  	_ =	task.clear_ibuf [dreg:s9], $0x7FFFF;
	_ =	strace $0x90000046  }
0xb6: {  	s29 =	simm.s32 $0x9;
	_ =	strace $0x80000048  }
0xb7: {  	_ =	swait.ge [sflag:s29], $0x1  }
0xb8: {  	[sflag:s29] =	ssyncadd.s32 $0xFFFFFFFF  }
0xb9: {  	_ =	strace $0x90000048  }
0xba: {  	_ =	sfence  }
0xbb: {  	s30 =	sld [smem:$0x0];
	_ =	sdelay $0x2  }
0xbc: {  	s31 =	sshll.u32 s1, $0xD;
	s1 =	sshrl.u32 s1, $0x2  }
0xbd: {  	s3 =	sand.u32 $0x4000, s31;
	s1 =	sadd.s32 s1, s30  }
0xbe: {  	s0 =	sor.u32 s3, s0;
	s1 =	sshll.u32 s1, $0x11  }
0xbf: {  	s0 =	sor.u32 s1, s0  }
0xc0: {  	s0 =	sadd.s32 $0x8F2B, s0  }
0xc1: {  	[sflag:s0] =	ssyncadd.remote.s32 $0x1  }
0xc2: {  	_ =	sfence.sel $0xFFFF  }
0xc3: {  	[dreg:$0x0] =	wrdreg $0xFFFFFFFF;
	(pc) =	sbr.abs _section_cstart, $3  }
0xc4: {  	[dreg:$0x1] =	wrdreg $0xFFFFFFFF  }
0xc5: {  	_ =	task.clear_ibuf [dreg:s9], $0x2FFFF;
	_ =	strace $0x9FFFFFFF  }
0xc6: {  	(tm) =	ssettm $0x7FFFFFFF  }
0xc7: {  	_ =	shalt  }
tec
execute0_lowered:
.L_overlay_start_1:
0x0: {  	(tag) =	ssettag $0x1  }
0x1: {  	s0 =	rddreg [dreg:$0x0]  }
0x2: {  	s3 =	rddreg [dreg:$0x1]  }
0x3: {  	s1 =	rddreg [dreg:$0x2]  }
0x4: {  	s10 =	rddreg [dreg:$0x3];
	s2 =	simm.s32 $0x0  }
0x5: {  	s7 =	srdreg.scid;
	s11 =	stileid.u32;
	s13 =	simm.s32 $0x200  }
0x6: {  	s15 =	simm.s32 $0x80;
	s16 =	simm.s32 $0x400;
	s17 =	simm.s32 $0x4400  }
0x7: {  	s18 =	simm.s32 $0x8400;
	s19 =	simm.s32 $0x8600;
	s21 =	simm.s32 $0x280  }
0x8: {  	s25 =	simm.s32 $0x100;
	s28 =	simm.s32 $0x300;
	s31 =	simm.s32 $0x8700  }
0x9: {  	s14 =	simm.s32 $0x380;
	s20 =	simm.s32 $0x7400;
	s22 =	simm.s32 $0x8580  }
0xa: {  	s23 =	simm.s32 $0x8780;
	s24 =	simm.s32 $0x1;
	s26 =	simm.s32 $0x8810  }
0xb: {  	s29 =	simm.s32 $0x0;
	[smem:$0x7FF] =	sst s2;
	s4 =	sadd.s32 $0xF42400, s1  }
0xc: {  	s5 =	sadd.s32 $0x186A00, s1;
	s6 =	sadd.s32 $0x21C00, s1;
	s7 =	sand.u32 $0x1, s7  }
0xd: {  	s11 =	sshll.u32 s11, $0x6;
	s8 =	ssub.s32 $0x2, s7;
	s9 =	sshll.u32 s7, $0xA  }
0xe: {  	_ =	strace $0x80000047;
	s12 =	sshrl.u32 s8, $0x1;
	s11 =	sor.u32 s11, s9  }
0xf: {  	s7 =	sadd.s32 $0x1EA00, s1;
	s12 =	ssub.s32 s8, s12;
	s8 =	sadd.s32 s0, s11  }
0x10: {  	v0 =	vlaneseq.u32;
	s9 =	sadd.s32 s3, s11;
	s10 =	sadd.s32 s10, s11;
	s0 =	simm.s32 $0x180  }
0x11: {  	v1 =	vor.u32 $0xFFFFFFF8, v0;
	s3 =	simm.s32 $0x3400;
	s11 =	smax.u32 s12, $0x1;
	s12 =	simm.s32 $0x2  }
.LBB2_1:
0x12: {  	[tilespmem:s2], [sflag:$0x2] =	stream.linear.gather [hbm4b:s8+s2], $0x200, $0x38;
	[tilespmem:$0x8A10] =	vst v63  }
0x13: {  	_ =	swait.ge [sflag:s12], $0x200  }
0x14: {  	[sflag:s12] =	ssyncset.done $0x0  }
0x15: {  	[sflag:s12] =	ssyncadd.s32 $0xFFFFFE00  }
0x16: {  	[tilespmem:s13], [sflag:$0x2] =	stream.linear.gather [hbm4b:s9+s2], $0x200, $0x38;
	[tilespmem:$0x8A10] =	vst v63  }
0x17: {  	_ =	swait.ge [sflag:s12], $0x200  }
0x18: {  	[sflag:s12] =	ssyncset.done $0x0  }
0x19: {  	s30 =	simm.s32 $0x8800;
	[sflag:s12] =	ssyncadd.s32 $0xFFFFFE00  }
0x1a: {  	[tilespmem:s30], [sflag:$0x2] =	stream.linear.gather [hbm4b:s6+s2], $0x10, $0x38;
	[tilespmem:$0x8A10] =	vst v63  }
0x1b: {  	_ =	swait.ge [sflag:s12], $0x10  }
0x1c: {  	[sflag:s12] =	ssyncset.done $0x0  }
0x1d: {  	[sflag:s12] =	ssyncadd.s32 $0xFFFFFFF0  }
0x1e: {  	[tilespmem:s16], [sflag:$0x1] =	stream.indirect.gather [hbm4b:s4+s15], $0x20, s2, s15, $0xb8;
	[tilespmem:$0x8A10] =	vst v63  }
0x1f: {  	_ = 	snop  }
0x20: {  	[tilespmem:s17], [sflag:$0x1] =	stream.indirect.gather [hbm4b:s5+s15], $0x20, s13, s15, $0xb8;
	[tilespmem:$0x8A10] =	vst v63  }
0x21: {  	_ = 	snop  }
0x22: {  	[tilespmem:s18], [sflag:$0x1] =	stream.indirect.gather [hbm4b:s1+s15], $0x1, s2, s15, $0xb8;
	[tilespmem:$0x8A10] =	vst v63  }
0x23: {  	_ = 	snop  }
0x24: {  	[tilespmem:s19], [sflag:$0x1] =	stream.indirect.gather [hbm4b:s7+s15], $0x1, s13, s15, $0xb8;
	[tilespmem:$0x8A10] =	vst v63  }
0x25: {  	s30 =	simm.s32 $0x1400  }
0x26: {  	[tilespmem:s30], [sflag:$0x1] =	stream.indirect.gather [hbm4b:s4+s15], $0x20, s15, s15, $0xb8;
	[tilespmem:$0x8A10] =	vst v63  }
0x27: {  	s30 =	simm.s32 $0x5400  }
0x28: {  	[tilespmem:s30], [sflag:$0x1] =	stream.indirect.gather [hbm4b:s5+s15], $0x20, s21, s15, $0xb8;
	[tilespmem:$0x8A10] =	vst v63  }
0x29: {  	s30 =	simm.s32 $0x8480  }
0x2a: {  	[tilespmem:s30], [sflag:$0x1] =	stream.indirect.gather [hbm4b:s1+s15], $0x1, s15, s15, $0xb8;
	[tilespmem:$0x8A10] =	vst v63  }
0x2b: {  	s30 =	simm.s32 $0x8680  }
0x2c: {  	[tilespmem:s30], [sflag:$0x1] =	stream.indirect.gather [hbm4b:s7+s15], $0x1, s21, s15, $0xb8;
	[tilespmem:$0x8A10] =	vst v63  }
0x2d: {  	s30 =	simm.s32 $0x2400  }
0x2e: {  	[tilespmem:s30], [sflag:$0x1] =	stream.indirect.gather [hbm4b:s4+s15], $0x20, s25, s15, $0xb8;
	[tilespmem:$0x8A10] =	vst v63  }
0x2f: {  	s30 =	simm.s32 $0x6400  }
0x30: {  	[tilespmem:s30], [sflag:$0x1] =	stream.indirect.gather [hbm4b:s5+s15], $0x20, s28, s15, $0xb8;
	[tilespmem:$0x8A10] =	vst v63  }
0x31: {  	s30 =	simm.s32 $0x8500  }
0x32: {  	[tilespmem:s30], [sflag:$0x1] =	stream.indirect.gather [hbm4b:s1+s15], $0x1, s25, s15, $0xb8;
	[tilespmem:$0x8A10] =	vst v63  }
0x33: {  	_ = 	snop  }
0x34: {  	[tilespmem:s31], [sflag:$0x1] =	stream.indirect.gather [hbm4b:s7+s15], $0x1, s28, s15, $0xb8;
	[tilespmem:$0x8A10] =	vst v63  }
0x35: {  	_ = 	snop  }
0x36: {  	[tilespmem:s3], [sflag:$0x1] =	stream.indirect.gather [hbm4b:s4+s15], $0x20, s0, s15, $0xb8;
	[tilespmem:$0x8A10] =	vst v63  }
0x37: {  	_ = 	snop  }
0x38: {  	[tilespmem:s20], [sflag:$0x1] =	stream.indirect.gather [hbm4b:s5+s15], $0x20, s14, s15, $0xb8;
	[tilespmem:$0x8A10] =	vst v63  }
0x39: {  	_ = 	snop  }
0x3a: {  	[tilespmem:s22], [sflag:$0x1] =	stream.indirect.gather [hbm4b:s1+s15], $0x1, s0, s15, $0xb8;
	[tilespmem:$0x8A10] =	vst v63  }
0x3b: {  	_ = 	snop  }
0x3c: {  	[tilespmem:s23], [sflag:$0x1] =	stream.indirect.gather [hbm4b:s7+s15], $0x1, s14, s15, $0xb8;
	[tilespmem:$0x8A10] =	vst v63  }
0x3d: {  	_ =	swait.ge [sflag:s24], $0x1000  }
0x3e: {  	[sflag:s24] =	ssyncset.done $0x0  }
0x3f: {  	[sflag:s24] =	ssyncadd.s32 $0xFFFFF000  }
0x40: {  	_ =	swait.ge [sflag:s24], $0x1000  }
0x41: {  	[sflag:s24] =	ssyncset.done $0x0  }
0x42: {  	[sflag:s24] =	ssyncadd.s32 $0xFFFFF000  }
0x43: {  	_ =	swait.ge [sflag:s24], $0x80  }
0x44: {  	[sflag:s24] =	ssyncset.done $0x0  }
0x45: {  	[sflag:s24] =	ssyncadd.s32 $0xFFFFFF80  }
0x46: {  	_ =	swait.ge [sflag:s24], $0x80  }
0x47: {  	[sflag:s24] =	ssyncset.done $0x0  }
0x48: {  	[sflag:s24] =	ssyncadd.s32 $0xFFFFFF80  }
0x49: {  	_ =	swait.ge [sflag:s24], $0x1000  }
0x4a: {  	[sflag:s24] =	ssyncset.done $0x0  }
0x4b: {  	[sflag:s24] =	ssyncadd.s32 $0xFFFFF000  }
0x4c: {  	_ =	swait.ge [sflag:s24], $0x1000  }
0x4d: {  	[sflag:s24] =	ssyncset.done $0x0  }
0x4e: {  	[sflag:s24] =	ssyncadd.s32 $0xFFFFF000  }
0x4f: {  	_ =	swait.ge [sflag:s24], $0x80  }
0x50: {  	[sflag:s24] =	ssyncset.done $0x0  }
0x51: {  	[sflag:s24] =	ssyncadd.s32 $0xFFFFFF80  }
0x52: {  	_ =	swait.ge [sflag:s24], $0x80  }
0x53: {  	[sflag:s24] =	ssyncset.done $0x0  }
0x54: {  	[sflag:s24] =	ssyncadd.s32 $0xFFFFFF80  }
0x55: {  	_ =	swait.ge [sflag:s24], $0x1000  }
0x56: {  	[sflag:s24] =	ssyncset.done $0x0  }
0x57: {  	[sflag:s24] =	ssyncadd.s32 $0xFFFFF000  }
0x58: {  	_ =	swait.ge [sflag:s24], $0x1000  }
0x59: {  	[sflag:s24] =	ssyncset.done $0x0  }
0x5a: {  	[sflag:s24] =	ssyncadd.s32 $0xFFFFF000  }
0x5b: {  	_ =	swait.ge [sflag:s24], $0x80  }
0x5c: {  	[sflag:s24] =	ssyncset.done $0x0  }
0x5d: {  	[sflag:s24] =	ssyncadd.s32 $0xFFFFFF80  }
0x5e: {  	_ =	swait.ge [sflag:s24], $0x80  }
0x5f: {  	[sflag:s24] =	ssyncset.done $0x0  }
0x60: {  	[sflag:s24] =	ssyncadd.s32 $0xFFFFFF80  }
0x61: {  	_ =	swait.ge [sflag:s24], $0x1000  }
0x62: {  	[sflag:s24] =	ssyncset.done $0x0  }
0x63: {  	[sflag:s24] =	ssyncadd.s32 $0xFFFFF000  }
0x64: {  	_ =	swait.ge [sflag:s24], $0x1000  }
0x65: {  	[sflag:s24] =	ssyncset.done $0x0  }
0x66: {  	[sflag:s24] =	ssyncadd.s32 $0xFFFFF000  }
0x67: {  	_ =	swait.ge [sflag:s24], $0x80  }
0x68: {  	v2 =	vor.u32 s2, v0;
	[sflag:s24] =	ssyncset.done $0x0  }
0x69: {  	v3 =	vand.u32 v1, v2;
	[sflag:s24] =	ssyncadd.s32 $0xFFFFFF80  }
0x6a: {  	_ =	swait.ge [sflag:s24], $0x80  }
0x6b: {  	v4 =	vshll.u32 v2, $0x5;
	[sflag:s24] =	ssyncset.done $0x0  }
0x6c: {  	[sflag:s24] =	ssyncadd.s32 $0xFFFFFF80  }
0x6d: {  	v5 =	vor.u32 $0x1, v4;
	v2 =	vld [tilespmem:$0x8800]  }
0x6e: {  	v6 =	vld.idx.msk [tilespmem:v3+s19+$0x0], $0xffff  }
0x6f: {  	v8 =	vor.u32 $0x2, v4;
	v7 =	vld.idx.msk [tilespmem:v3+s18+$0x0], $0xffff  }
0x70: {  	v9 =	vld.idx.msk [tilespmem:v4+s16+$0x0], $0xffff  }
0x71: {  	v11 =	vor.u32 $0x3, v4;
	v10 =	vld.idx.msk [tilespmem:v4+s17+$0x0], $0xffff  }
0x72: {  	v12 =	vld.idx.msk [tilespmem:v5+s16+$0x0], $0xffff  }
0x73: {  	v13 =	vor.u32 $0x4, v4;
	v5 =	vld.idx.msk [tilespmem:v5+s17+$0x0], $0xffff  }
0x74: {  	v14 =	vld.idx.msk [tilespmem:v8+s16+$0x0], $0xffff;
	v7 =	vadd.f32 v7, v2  }
0x75: {  	v15 =	vor.u32 $0x5, v4;
	v8 =	vld.idx.msk [tilespmem:v8+s17+$0x0], $0xffff  }
0x76: {  	v16 =	vld.idx.msk [tilespmem:v11+s16+$0x0], $0xffff;
	v6 =	vadd.f32 v6, v7;
	v7 =	vmul.f32 v10, v9  }
0x77: {  	v46 =	vor.u32 $0x6, v4;
	v45 =	vld.idx.msk [tilespmem:v11+s17+$0x0], $0xffff  }
0x78: {  	v47 =	vld.idx.msk [tilespmem:v13+s16+$0x0], $0xffff;
	v5 =	vmul.f32 v5, v12;
	v6 =	vadd.f32 v7, v6  }
0x79: {  	v48 =	vor.u32 $0x7, v4;
	v7 =	vld.idx.msk [tilespmem:v13+s17+$0x0], $0xffff  }
0x7a: {  	v49 =	vld.idx.msk [tilespmem:v15+s16+$0x0], $0xffff;
	v5 =	vadd.f32 v5, v6;
	v6 =	vmul.f32 v8, v14  }
0x7b: {  	v50 =	vor.u32 $0x8, v4;
	v8 =	vld.idx.msk [tilespmem:v15+s17+$0x0], $0xffff  }
0x7c: {  	v51 =	vld.idx.msk [tilespmem:v46+s16+$0x0], $0xffff;
	v5 =	vadd.f32 v6, v5;
	v6 =	vmul.f32 v45, v16  }
0x7d: {  	v53 =	vor.u32 $0x9, v4;
	v52 =	vld.idx.msk [tilespmem:v46+s17+$0x0], $0xffff  }
0x7e: {  	v54 =	vld.idx.msk [tilespmem:v48+s16+$0x0], $0xffff;
	v5 =	vadd.f32 v6, v5;
	v6 =	vmul.f32 v7, v47  }
0x7f: {  	v55 =	vor.u32 $0xA, v4;
	v7 =	vld.idx.msk [tilespmem:v48+s17+$0x0], $0xffff  }
0x80: {  	v56 =	vld.idx.msk [tilespmem:v50+s16+$0x0], $0xffff;
	v5 =	vadd.f32 v6, v5;
	v6 =	vmul.f32 v8, v49  }
0x81: {  	v57 =	vor.u32 $0xB, v4;
	v8 =	vld.idx.msk [tilespmem:v50+s17+$0x0], $0xffff  }
0x82: {  	v58 =	vld.idx.msk [tilespmem:v53+s16+$0x0], $0xffff;
	v5 =	vadd.f32 v6, v5;
	v6 =	vmul.f32 v52, v51  }
0x83: {  	v60 =	vor.u32 $0xC, v4;
	v59 =	vld.idx.msk [tilespmem:v53+s17+$0x0], $0xffff  }
0x84: {  	v61 =	vld.idx.msk [tilespmem:v55+s16+$0x0], $0xffff;
	v5 =	vadd.f32 v6, v5;
	v6 =	vmul.f32 v7, v54  }
0x85: {  	v62 =	vor.u32 $0xD, v4;
	v7 =	vld.idx.msk [tilespmem:v55+s17+$0x0], $0xffff  }
0x86: {  	v63 =	vld.idx.msk [tilespmem:v57+s16+$0x0], $0xffff;
	v5 =	vadd.f32 v6, v5;
	v6 =	vmul.f32 v8, v56  }
0x87: {  	v20 =	vor.u32 $0xE, v4;
	v8 =	vld.idx.msk [tilespmem:v57+s17+$0x0], $0xffff  }
0x88: {  	v21 =	vld.idx.msk [tilespmem:v60+s16+$0x0], $0xffff;
	v5 =	vadd.f32 v6, v5;
	v6 =	vmul.f32 v59, v58  }
0x89: {  	v23 =	vor.u32 $0xF, v4;
	v22 =	vld.idx.msk [tilespmem:v60+s17+$0x0], $0xffff  }
0x8a: {  	v24 =	vld.idx.msk [tilespmem:v62+s16+$0x0], $0xffff;
	v5 =	vadd.f32 v6, v5;
	v6 =	vmul.f32 v7, v61  }
0x8b: {  	v25 =	vor.u32 $0x10, v4;
	v7 =	vld.idx.msk [tilespmem:v62+s17+$0x0], $0xffff  }
0x8c: {  	v26 =	vld.idx.msk [tilespmem:v20+s16+$0x0], $0xffff;
	v5 =	vadd.f32 v6, v5;
	v6 =	vmul.f32 v8, v63  }
0x8d: {  	v27 =	vor.u32 $0x11, v4;
	v8 =	vld.idx.msk [tilespmem:v20+s17+$0x0], $0xffff  }
0x8e: {  	v28 =	vld.idx.msk [tilespmem:v23+s16+$0x0], $0xffff;
	v5 =	vadd.f32 v6, v5;
	v6 =	vmul.f32 v22, v21  }
0x8f: {  	v30 =	vor.u32 $0x12, v4;
	v29 =	vld.idx.msk [tilespmem:v23+s17+$0x0], $0xffff  }
0x90: {  	v31 =	vld.idx.msk [tilespmem:v25+s16+$0x0], $0xffff;
	v5 =	vadd.f32 v6, v5;
	v6 =	vmul.f32 v7, v24  }
0x91: {  	v32 =	vor.u32 $0x13, v4;
	v7 =	vld.idx.msk [tilespmem:v25+s17+$0x0], $0xffff  }
0x92: {  	v33 =	vld.idx.msk [tilespmem:v27+s16+$0x0], $0xffff;
	v5 =	vadd.f32 v6, v5;
	v6 =	vmul.f32 v8, v26  }
0x93: {  	v34 =	vor.u32 $0x14, v4;
	v8 =	vld.idx.msk [tilespmem:v27+s17+$0x0], $0xffff  }
0x94: {  	v35 =	vld.idx.msk [tilespmem:v30+s16+$0x0], $0xffff;
	v5 =	vadd.f32 v6, v5;
	v6 =	vmul.f32 v29, v28  }
0x95: {  	v37 =	vor.u32 $0x15, v4;
	v36 =	vld.idx.msk [tilespmem:v30+s17+$0x0], $0xffff  }
0x96: {  	v38 =	vld.idx.msk [tilespmem:v32+s16+$0x0], $0xffff;
	v5 =	vadd.f32 v6, v5;
	v6 =	vmul.f32 v7, v31  }
0x97: {  	v39 =	vor.u32 $0x16, v4;
	v7 =	vld.idx.msk [tilespmem:v32+s17+$0x0], $0xffff  }
0x98: {  	v40 =	vld.idx.msk [tilespmem:v34+s16+$0x0], $0xffff;
	v5 =	vadd.f32 v6, v5;
	v6 =	vmul.f32 v8, v33  }
0x99: {  	v41 =	vor.u32 $0x17, v4;
	v8 =	vld.idx.msk [tilespmem:v34+s17+$0x0], $0xffff  }
0x9a: {  	v42 =	vld.idx.msk [tilespmem:v37+s16+$0x0], $0xffff;
	v5 =	vadd.f32 v6, v5;
	v6 =	vmul.f32 v36, v35  }
0x9b: {  	v44 =	vor.u32 $0x18, v4;
	v43 =	vld.idx.msk [tilespmem:v37+s17+$0x0], $0xffff  }
0x9c: {  	v45 =	vld.idx.msk [tilespmem:v39+s16+$0x0], $0xffff;
	v5 =	vadd.f32 v6, v5;
	v6 =	vmul.f32 v7, v38  }
0x9d: {  	v46 =	vor.u32 $0x19, v4;
	v7 =	vld.idx.msk [tilespmem:v39+s17+$0x0], $0xffff  }
0x9e: {  	v47 =	vld.idx.msk [tilespmem:v41+s16+$0x0], $0xffff;
	v5 =	vadd.f32 v6, v5;
	v6 =	vmul.f32 v8, v40  }
0x9f: {  	v48 =	vor.u32 $0x1A, v4;
	v8 =	vld.idx.msk [tilespmem:v41+s17+$0x0], $0xffff  }
0xa0: {  	v49 =	vld.idx.msk [tilespmem:v44+s16+$0x0], $0xffff;
	v5 =	vadd.f32 v6, v5;
	v6 =	vmul.f32 v43, v42  }
0xa1: {  	v50 =	vld.idx.msk [tilespmem:v44+s17+$0x0], $0xffff;
	v51 =	vor.u32 $0x1B, v4  }
0xa2: {  	v52 =	vld.idx.msk [tilespmem:v46+s16+$0x0], $0xffff;
	v5 =	vadd.f32 v6, v5;
	v6 =	vmul.f32 v7, v45  }
0xa3: {  	v53 =	vor.u32 $0x1C, v4;
	v7 =	vld.idx.msk [tilespmem:v46+s17+$0x0], $0xffff  }
0xa4: {  	v54 =	vld.idx.msk [tilespmem:v48+s16+$0x0], $0xffff;
	v5 =	vadd.f32 v6, v5;
	v6 =	vmul.f32 v8, v47  }
0xa5: {  	v55 =	vor.u32 $0x1D, v4;
	v8 =	vld.idx.msk [tilespmem:v48+s17+$0x0], $0xffff  }
0xa6: {  	v56 =	vld.idx.msk [tilespmem:v51+s16+$0x0], $0xffff;
	v5 =	vadd.f32 v6, v5;
	v6 =	vmul.f32 v50, v49  }
0xa7: {  	v57 =	vld.idx.msk [tilespmem:v51+s17+$0x0], $0xffff;
	v58 =	vor.u32 $0x1E, v4  }
0xa8: {  	v59 =	vld.idx.msk [tilespmem:v53+s16+$0x0], $0xffff;
	v5 =	vadd.f32 v6, v5;
	v6 =	vmul.f32 v7, v52  }
0xa9: {  	v4 =	vor.u32 $0x1F, v4;
	v7 =	vld.idx.msk [tilespmem:v53+s17+$0x0], $0xffff  }
0xaa: {  	v60 =	vld.idx.msk [tilespmem:v55+s16+$0x0], $0xffff;
	v5 =	vadd.f32 v6, v5;
	v6 =	vmul.f32 v8, v54  }
0xab: {  	v8 =	vld.idx.msk [tilespmem:v55+s17+$0x0], $0xffff  }
0xac: {  	v61 =	vld.idx.msk [tilespmem:v58+s16+$0x0], $0xffff;
	v5 =	vadd.f32 v6, v5;
	v6 =	vmul.f32 v57, v56  }
0xad: {  	v62 =	vld.idx.msk [tilespmem:v58+s17+$0x0], $0xffff  }
0xae: {  	v63 =	vld.idx.msk [tilespmem:v4+s16+$0x0], $0xffff;
	v5 =	vadd.f32 v6, v5;
	v6 =	vmul.f32 v7, v59  }
0xaf: {  	v7 =	vld.idx.msk [tilespmem:v4+s17+$0x0], $0xffff  }
0xb0: {  	v4 =	vadd.f32 v6, v5;
	v5 =	vmul.f32 v8, v60;
	_ =	sdelay $0x1  }
0xb1: {  	s30 =	simm.s32 $0x10;
	v8 =	vmul.f32 v62, v61;
	v6 =	vadd.f32 v5, v4  }
0xb2: {  	v4 =	vor.u32 s30, v0  }
0xb3: {  	s30 =	simm.s32 $0x20;
	v5 =	vand.u32 v1, v4;
	v7 =	vmul.f32 v7, v63;
	v6 =	vadd.f32 v8, v6  }
.LBB2_2:
0xb4: {  	p0 =	sne.s32 s30, $0x1F0  }
0xb5: {  	v4 =	vshll.u32 v4, $0x5;
	v6 =	vadd.f32 v7, v6;
	_ =	sdelay $0x1  }
0xb6: {  	v7 =	vor.u32 $0x1, v4;
	[tilespmem:v3+s26+$0x0] =	vst.idx.msk $0xffff, v6;
	v3 =	vmov v5  }
0xb7: {  	v6 =	vld.idx.msk [tilespmem:v5+s19+$0x0], $0xffff  }
0xb8: {  	v8 =	vor.u32 $0x2, v4;
	v5 =	vld.idx.msk [tilespmem:v5+s18+$0x0], $0xffff  }
0xb9: {  	v9 =	vld.idx.msk [tilespmem:v4+s16+$0x0], $0xffff  }
0xba: {  	v11 =	vor.u32 $0x3, v4;
	v10 =	vld.idx.msk [tilespmem:v4+s17+$0x0], $0xffff  }
0xbb: {  	v12 =	vld.idx.msk [tilespmem:v7+s16+$0x0], $0xffff  }
0xbc: {  	v13 =	vor.u32 $0x4, v4;
	v7 =	vld.idx.msk [tilespmem:v7+s17+$0x0], $0xffff  }
0xbd: {  	v14 =	vld.idx.msk [tilespmem:v8+s16+$0x0], $0xffff  }
0xbe: {  	v15 =	vor.u32 $0x5, v4;
	v5 =	vadd.f32 v5, v2;
	v8 =	vld.idx.msk [tilespmem:v8+s17+$0x0], $0xffff  }
0xbf: {  	v16 =	vld.idx.msk [tilespmem:v11+s16+$0x0], $0xffff  }
0xc0: {  	v5 =	vadd.f32 v6, v5;
	v6 =	vmul.f32 v10, v9;
	v10 =	vor.u32 $0x6, v4;
	v9 =	vld.idx.msk [tilespmem:v11+s17+$0x0], $0xffff  }
0xc1: {  	v11 =	vld.idx.msk [tilespmem:v13+s16+$0x0], $0xffff  }
0xc2: {  	v5 =	vadd.f32 v6, v5;
	v6 =	vmul.f32 v7, v12;
	v12 =	vor.u32 $0x7, v4;
	v7 =	vld.idx.msk [tilespmem:v13+s17+$0x0], $0xffff  }
0xc3: {  	v13 =	vld.idx.msk [tilespmem:v15+s16+$0x0], $0xffff  }
0xc4: {  	v5 =	vadd.f32 v6, v5;
	v6 =	vmul.f32 v8, v14;
	v14 =	vor.u32 $0x8, v4;
	v8 =	vld.idx.msk [tilespmem:v15+s17+$0x0], $0xffff  }
0xc5: {  	v15 =	vld.idx.msk [tilespmem:v10+s16+$0x0], $0xffff  }
0xc6: {  	v5 =	vadd.f32 v6, v5;
	v6 =	vmul.f32 v9, v16;
	v9 =	vld.idx.msk [tilespmem:v10+s17+$0x0], $0xffff;
	v10 =	vor.u32 $0x9, v4  }
0xc7: {  	v16 =	vld.idx.msk [tilespmem:v12+s16+$0x0], $0xffff  }
0xc8: {  	v5 =	vadd.f32 v6, v5;
	v6 =	vmul.f32 v7, v11;
	v11 =	vor.u32 $0xA, v4;
	v7 =	vld.idx.msk [tilespmem:v12+s17+$0x0], $0xffff  }
0xc9: {  	v12 =	vld.idx.msk [tilespmem:v14+s16+$0x0], $0xffff  }
0xca: {  	v5 =	vadd.f32 v6, v5;
	v6 =	vmul.f32 v8, v13;
	v13 =	vor.u32 $0xB, v4;
	v8 =	vld.idx.msk [tilespmem:v14+s17+$0x0], $0xffff  }
0xcb: {  	v14 =	vld.idx.msk [tilespmem:v10+s16+$0x0], $0xffff  }
0xcc: {  	v5 =	vadd.f32 v6, v5;
	v6 =	vmul.f32 v9, v15;
	v9 =	vld.idx.msk [tilespmem:v10+s17+$0x0], $0xffff;
	v10 =	vor.u32 $0xC, v4  }
0xcd: {  	v15 =	vld.idx.msk [tilespmem:v11+s16+$0x0], $0xffff  }
0xce: {  	v5 =	vadd.f32 v6, v5;
	v6 =	vmul.f32 v7, v16;
	v7 =	vld.idx.msk [tilespmem:v11+s17+$0x0], $0xffff;
	v11 =	vor.u32 $0xD, v4  }
0xcf: {  	v16 =	vld.idx.msk [tilespmem:v13+s16+$0x0], $0xffff  }
0xd0: {  	v5 =	vadd.f32 v6, v5;
	v6 =	vmul.f32 v8, v12;
	v12 =	vor.u32 $0xE, v4;
	v8 =	vld.idx.msk [tilespmem:v13+s17+$0x0], $0xffff  }
0xd1: {  	v13 =	vld.idx.msk [tilespmem:v10+s16+$0x0], $0xffff  }
0xd2: {  	v5 =	vadd.f32 v6, v5;
	v6 =	vmul.f32 v9, v14;
	v9 =	vld.idx.msk [tilespmem:v10+s17+$0x0], $0xffff;
	v10 =	vor.u32 $0xF, v4  }
0xd3: {  	v14 =	vld.idx.msk [tilespmem:v11+s16+$0x0], $0xffff  }
0xd4: {  	v5 =	vadd.f32 v6, v5;
	v6 =	vmul.f32 v7, v15;
	v7 =	vld.idx.msk [tilespmem:v11+s17+$0x0], $0xffff;
	v11 =	vor.u32 $0x10, v4  }
0xd5: {  	v15 =	vld.idx.msk [tilespmem:v12+s16+$0x0], $0xffff  }
0xd6: {  	v5 =	vadd.f32 v6, v5;
	v6 =	vmul.f32 v8, v16;
	v8 =	vld.idx.msk [tilespmem:v12+s17+$0x0], $0xffff;
	v12 =	vor.u32 $0x11, v4  }
0xd7: {  	v16 =	vld.idx.msk [tilespmem:v10+s16+$0x0], $0xffff  }
0xd8: {  	v5 =	vadd.f32 v6, v5;
	v6 =	vmul.f32 v9, v13;
	v9 =	vld.idx.msk [tilespmem:v10+s17+$0x0], $0xffff;
	v10 =	vor.u32 $0x12, v4  }
0xd9: {  	v13 =	vld.idx.msk [tilespmem:v11+s16+$0x0], $0xffff  }
0xda: {  	v5 =	vadd.f32 v6, v5;
	v6 =	vmul.f32 v7, v14;
	v7 =	vld.idx.msk [tilespmem:v11+s17+$0x0], $0xffff;
	v11 =	vor.u32 $0x13, v4  }
0xdb: {  	v14 =	vld.idx.msk [tilespmem:v12+s16+$0x0], $0xffff  }
0xdc: {  	v5 =	vadd.f32 v6, v5;
	v6 =	vmul.f32 v8, v15;
	v8 =	vld.idx.msk [tilespmem:v12+s17+$0x0], $0xffff;
	v12 =	vor.u32 $0x14, v4  }
0xdd: {  	v15 =	vld.idx.msk [tilespmem:v10+s16+$0x0], $0xffff  }
0xde: {  	v5 =	vadd.f32 v6, v5;
	v6 =	vmul.f32 v9, v16;
	v9 =	vld.idx.msk [tilespmem:v10+s17+$0x0], $0xffff;
	v10 =	vor.u32 $0x15, v4  }
0xdf: {  	v16 =	vld.idx.msk [tilespmem:v11+s16+$0x0], $0xffff  }
0xe0: {  	v5 =	vadd.f32 v6, v5;
	v6 =	vmul.f32 v7, v13;
	v7 =	vld.idx.msk [tilespmem:v11+s17+$0x0], $0xffff;
	v11 =	vor.u32 $0x16, v4  }
0xe1: {  	v13 =	vld.idx.msk [tilespmem:v12+s16+$0x0], $0xffff  }
0xe2: {  	v5 =	vadd.f32 v6, v5;
	v6 =	vmul.f32 v8, v14;
	v8 =	vld.idx.msk [tilespmem:v12+s17+$0x0], $0xffff;
	v12 =	vor.u32 $0x17, v4  }
0xe3: {  	v14 =	vld.idx.msk [tilespmem:v10+s16+$0x0], $0xffff  }
0xe4: {  	v5 =	vadd.f32 v6, v5;
	v6 =	vmul.f32 v9, v15;
	v9 =	vld.idx.msk [tilespmem:v10+s17+$0x0], $0xffff;
	v10 =	vor.u32 $0x18, v4  }
0xe5: {  	v15 =	vld.idx.msk [tilespmem:v11+s16+$0x0], $0xffff  }
0xe6: {  	v5 =	vadd.f32 v6, v5;
	v6 =	vmul.f32 v7, v16;
	v7 =	vld.idx.msk [tilespmem:v11+s17+$0x0], $0xffff;
	v11 =	vor.u32 $0x19, v4  }
0xe7: {  	v16 =	vld.idx.msk [tilespmem:v12+s16+$0x0], $0xffff  }
0xe8: {  	v5 =	vadd.f32 v6, v5;
	v6 =	vmul.f32 v8, v13;
	v8 =	vld.idx.msk [tilespmem:v12+s17+$0x0], $0xffff;
	v12 =	vor.u32 $0x1A, v4  }
0xe9: {  	v13 =	vld.idx.msk [tilespmem:v10+s16+$0x0], $0xffff  }
0xea: {  	v5 =	vadd.f32 v6, v5;
	v6 =	vmul.f32 v9, v14;
	v9 =	vld.idx.msk [tilespmem:v10+s17+$0x0], $0xffff;
	v10 =	vor.u32 $0x1B, v4  }
0xeb: {  	v14 =	vld.idx.msk [tilespmem:v11+s16+$0x0], $0xffff  }
0xec: {  	v5 =	vadd.f32 v6, v5;
	v6 =	vmul.f32 v7, v15;
	v7 =	vld.idx.msk [tilespmem:v11+s17+$0x0], $0xffff;
	v11 =	vor.u32 $0x1C, v4  }
0xed: {  	v15 =	vld.idx.msk [tilespmem:v12+s16+$0x0], $0xffff  }
0xee: {  	v5 =	vadd.f32 v6, v5;
	v6 =	vmul.f32 v8, v16;
	v8 =	vld.idx.msk [tilespmem:v12+s17+$0x0], $0xffff;
	v12 =	vor.u32 $0x1D, v4  }
0xef: {  	v16 =	vld.idx.msk [tilespmem:v10+s16+$0x0], $0xffff  }
0xf0: {  	v5 =	vadd.f32 v6, v5;
	v6 =	vmul.f32 v9, v13;
	v9 =	vld.idx.msk [tilespmem:v10+s17+$0x0], $0xffff;
	v10 =	vor.u32 $0x1E, v4  }
0xf1: {  	v13 =	vld.idx.msk [tilespmem:v11+s16+$0x0], $0xffff  }
0xf2: {  	v4 =	vor.u32 $0x1F, v4;
	v5 =	vadd.f32 v6, v5;
	v6 =	vmul.f32 v7, v14;
	v7 =	vld.idx.msk [tilespmem:v11+s17+$0x0], $0xffff  }
0xf3: {  	v11 =	vld.idx.msk [tilespmem:v12+s16+$0x0], $0xffff  }
0xf4: {  	v5 =	vadd.f32 v6, v5;
	v6 =	vmul.f32 v8, v15;
	v8 =	vld.idx.msk [tilespmem:v12+s17+$0x0], $0xffff  }
0xf5: {  	v12 =	vld.idx.msk [tilespmem:v10+s16+$0x0], $0xffff  }
0xf6: {  	v5 =	vadd.f32 v6, v5;
	v6 =	vmul.f32 v9, v16;
	v9 =	vld.idx.msk [tilespmem:v10+s17+$0x0], $0xffff  }
0xf7: {  	v10 =	vld.idx.msk [tilespmem:v4+s16+$0x0], $0xffff  }
0xf8: {  	v5 =	vadd.f32 v6, v5;
	v6 =	vmul.f32 v7, v13;
	v7 =	vld.idx.msk [tilespmem:v4+s17+$0x0], $0xffff;
	_ =	sdelay $0x1  }
.Ltmp0:
0xf9: {  	v4 =	vadd.f32 v6, v5;
	v5 =	vmul.f32 v8, v11;
	(pc) =	sbr.rel @p0 .LBB2_2-.Ltmp0, $4  }
0xfa: {  	_ = 	snop  }
0xfb: {  	v6 =	vadd.f32 v5, v4;
	v8 =	vmul.f32 v9, v12  }
0xfc: {  	v4 =	vor.u32 s30, v0  }
0xfd: {  	s30 =	sadd.s32 $0x10, s30;
	v5 =	vand.u32 v1, v4;
	v6 =	vadd.f32 v8, v6;
	v7 =	vmul.f32 v7, v10  }
0xfe: {  	_ =	sdelay $0x1  }
0xff: {  	v4 =	vshll.u32 v4, $0x5;
	v6 =	vadd.f32 v7, v6;
	_ =	sdelay $0x1  }
0x100: {  	v26 =	vor.u32 $0x1, v4;
	[tilespmem:v3+s26+$0x0] =	vst.idx.msk $0xffff, v6  }
0x101: {  	v3 =	vld.idx.msk [tilespmem:v5+s19+$0x0], $0xffff  }
0x102: {  	v8 =	vor.u32 $0x2, v4;
	v6 =	vld.idx.msk [tilespmem:v5+s18+$0x0], $0xffff  }
0x103: {  	v9 =	vld.idx.msk [tilespmem:v4+s16+$0x0], $0xffff  }
0x104: {  	v11 =	vor.u32 $0x3, v4;
	v10 =	vld.idx.msk [tilespmem:v4+s17+$0x0], $0xffff  }
0x105: {  	v12 =	vld.idx.msk [tilespmem:v26+s16+$0x0], $0xffff  }
0x106: {  	v13 =	vor.u32 $0x4, v4;
	v7 =	vld.idx.msk [tilespmem:v26+s17+$0x0], $0xffff  }
0x107: {  	v14 =	vld.idx.msk [tilespmem:v8+s16+$0x0], $0xffff;
	v2 =	vadd.f32 v6, v2  }
0x108: {  	v28 =	vor.u32 $0x5, v4;
	v27 =	vld.idx.msk [tilespmem:v8+s17+$0x0], $0xffff  }
0x109: {  	v15 =	vld.idx.msk [tilespmem:v11+s16+$0x0], $0xffff;
	v2 =	vadd.f32 v3, v2;
	v3 =	vmul.f32 v10, v9  }
0x10a: {  	v30 =	vor.u32 $0x6, v4;
	v29 =	vld.idx.msk [tilespmem:v11+s17+$0x0], $0xffff  }
0x10b: {  	v31 =	vld.idx.msk [tilespmem:v13+s16+$0x0], $0xffff;
	v2 =	vadd.f32 v3, v2;
	v3 =	vmul.f32 v7, v12  }
0x10c: {  	v33 =	vor.u32 $0x7, v4;
	v32 =	vld.idx.msk [tilespmem:v13+s17+$0x0], $0xffff  }
0x10d: {  	v34 =	vld.idx.msk [tilespmem:v28+s16+$0x0], $0xffff;
	v2 =	vadd.f32 v3, v2;
	v3 =	vmul.f32 v27, v14  }
0x10e: {  	v36 =	vor.u32 $0x8, v4;
	v35 =	vld.idx.msk [tilespmem:v28+s17+$0x0], $0xffff  }
0x10f: {  	v37 =	vld.idx.msk [tilespmem:v30+s16+$0x0], $0xffff;
	v2 =	vadd.f32 v3, v2;
	v3 =	vmul.f32 v29, v15  }
0x110: {  	v39 =	vor.u32 $0x9, v4;
	v38 =	vld.idx.msk [tilespmem:v30+s17+$0x0], $0xffff  }
0x111: {  	v40 =	vld.idx.msk [tilespmem:v33+s16+$0x0], $0xffff;
	v2 =	vadd.f32 v3, v2;
	v3 =	vmul.f32 v32, v31  }
0x112: {  	v42 =	vor.u32 $0xA, v4;
	v41 =	vld.idx.msk [tilespmem:v33+s17+$0x0], $0xffff  }
0x113: {  	v43 =	vld.idx.msk [tilespmem:v36+s16+$0x0], $0xffff;
	v2 =	vadd.f32 v3, v2;
	v3 =	vmul.f32 v35, v34  }
0x114: {  	v45 =	vor.u32 $0xB, v4;
	v44 =	vld.idx.msk [tilespmem:v36+s17+$0x0], $0xffff  }
0x115: {  	v46 =	vld.idx.msk [tilespmem:v39+s16+$0x0], $0xffff;
	v2 =	vadd.f32 v3, v2;
	v3 =	vmul.f32 v38, v37  }
0x116: {  	v48 =	vor.u32 $0xC, v4;
	v47 =	vld.idx.msk [tilespmem:v39+s17+$0x0], $0xffff  }
0x117: {  	v49 =	vld.idx.msk [tilespmem:v42+s16+$0x0], $0xffff;
	v2 =	vadd.f32 v3, v2;
	v3 =	vmul.f32 v41, v40  }
0x118: {  	v51 =	vor.u32 $0xD, v4;
	v50 =	vld.idx.msk [tilespmem:v42+s17+$0x0], $0xffff  }
0x119: {  	v52 =	vld.idx.msk [tilespmem:v45+s16+$0x0], $0xffff;
	v2 =	vadd.f32 v3, v2;
	v3 =	vmul.f32 v44, v43  }
0x11a: {  	v54 =	vor.u32 $0xE, v4;
	v53 =	vld.idx.msk [tilespmem:v45+s17+$0x0], $0xffff  }
0x11b: {  	v55 =	vld.idx.msk [tilespmem:v48+s16+$0x0], $0xffff;
	v2 =	vadd.f32 v3, v2;
	v3 =	vmul.f32 v47, v46  }
0x11c: {  	v57 =	vor.u32 $0xF, v4;
	v56 =	vld.idx.msk [tilespmem:v48+s17+$0x0], $0xffff  }
0x11d: {  	v58 =	vld.idx.msk [tilespmem:v51+s16+$0x0], $0xffff;
	v2 =	vadd.f32 v3, v2;
	v3 =	vmul.f32 v50, v49  }
0x11e: {  	v60 =	vor.u32 $0x10, v4;
	v59 =	vld.idx.msk [tilespmem:v51+s17+$0x0], $0xffff  }
0x11f: {  	v61 =	vld.idx.msk [tilespmem:v54+s16+$0x0], $0xffff;
	v2 =	vadd.f32 v3, v2;
	v3 =	vmul.f32 v53, v52  }
0x120: {  	v63 =	vor.u32 $0x11, v4;
	v62 =	vld.idx.msk [tilespmem:v54+s17+$0x0], $0xffff  }
0x121: {  	v18 =	vld.idx.msk [tilespmem:v57+s16+$0x0], $0xffff;
	v2 =	vadd.f32 v3, v2;
	v3 =	vmul.f32 v56, v55  }
0x122: {  	v20 =	vor.u32 $0x12, v4;
	v19 =	vld.idx.msk [tilespmem:v57+s17+$0x0], $0xffff  }
0x123: {  	v21 =	vld.idx.msk [tilespmem:v60+s16+$0x0], $0xffff;
	v2 =	vadd.f32 v3, v2;
	v3 =	vmul.f32 v59, v58  }
0x124: {  	v23 =	vor.u32 $0x13, v4;
	v22 =	vld.idx.msk [tilespmem:v60+s17+$0x0], $0xffff  }
0x125: {  	v24 =	vld.idx.msk [tilespmem:v63+s16+$0x0], $0xffff;
	v2 =	vadd.f32 v3, v2;
	v3 =	vmul.f32 v62, v61  }
0x126: {  	v25 =	vld.idx.msk [tilespmem:v63+s17+$0x0], $0xffff;
	v26 =	vor.u32 $0x14, v4  }
0x127: {  	v28 =	vld.idx.msk [tilespmem:v20+s17+$0x0], $0xffff;
	v2 =	vadd.f32 v3, v2;
	v3 =	vmul.f32 v19, v18  }
0x128: {  	v27 =	vld.idx.msk [tilespmem:v20+s16+$0x0], $0xffff;
	v29 =	vor.u32 $0x15, v4  }
0x129: {  	v30 =	vld.idx.msk [tilespmem:v23+s16+$0x0], $0xffff;
	v2 =	vadd.f32 v3, v2;
	v3 =	vmul.f32 v22, v21  }
0x12a: {  	v31 =	vld.idx.msk [tilespmem:v23+s17+$0x0], $0xffff;
	v32 =	vor.u32 $0x16, v4  }
0x12b: {  	v33 =	vld.idx.msk [tilespmem:v26+s16+$0x0], $0xffff;
	v2 =	vadd.f32 v3, v2;
	v3 =	vmul.f32 v25, v24  }
0x12c: {  	v34 =	vld.idx.msk [tilespmem:v26+s17+$0x0], $0xffff;
	v35 =	vor.u32 $0x17, v4  }
0x12d: {  	v36 =	vld.idx.msk [tilespmem:v29+s16+$0x0], $0xffff;
	v2 =	vadd.f32 v3, v2;
	v3 =	vmul.f32 v28, v27  }
0x12e: {  	v37 =	vld.idx.msk [tilespmem:v29+s17+$0x0], $0xffff;
	v38 =	vor.u32 $0x18, v4  }
0x12f: {  	v39 =	vld.idx.msk [tilespmem:v32+s16+$0x0], $0xffff;
	v2 =	vadd.f32 v3, v2;
	v3 =	vmul.f32 v31, v30  }
0x130: {  	v40 =	vld.idx.msk [tilespmem:v32+s17+$0x0], $0xffff;
	v41 =	vor.u32 $0x19, v4  }
0x131: {  	v42 =	vld.idx.msk [tilespmem:v35+s16+$0x0], $0xffff;
	v2 =	vadd.f32 v3, v2;
	v3 =	vmul.f32 v34, v33  }
0x132: {  	v43 =	vld.idx.msk [tilespmem:v35+s17+$0x0], $0xffff;
	v44 =	vor.u32 $0x1A, v4  }
0x133: {  	v45 =	vld.idx.msk [tilespmem:v38+s16+$0x0], $0xffff;
	v2 =	vadd.f32 v3, v2;
	v3 =	vmul.f32 v37, v36  }
0x134: {  	v46 =	vld.idx.msk [tilespmem:v38+s17+$0x0], $0xffff;
	v47 =	vor.u32 $0x1B, v4  }
0x135: {  	v48 =	vld.idx.msk [tilespmem:v41+s16+$0x0], $0xffff;
	v2 =	vadd.f32 v3, v2;
	v3 =	vmul.f32 v40, v39  }
0x136: {  	v49 =	vld.idx.msk [tilespmem:v41+s17+$0x0], $0xffff;
	v50 =	vor.u32 $0x1C, v4  }
0x137: {  	v51 =	vld.idx.msk [tilespmem:v44+s16+$0x0], $0xffff;
	v2 =	vadd.f32 v3, v2;
	v3 =	vmul.f32 v43, v42  }
0x138: {  	v52 =	vld.idx.msk [tilespmem:v44+s17+$0x0], $0xffff;
	v53 =	vor.u32 $0x1D, v4  }
0x139: {  	v54 =	vld.idx.msk [tilespmem:v47+s16+$0x0], $0xffff;
	v2 =	vadd.f32 v3, v2;
	v3 =	vmul.f32 v46, v45  }
0x13a: {  	v55 =	vld.idx.msk [tilespmem:v47+s17+$0x0], $0xffff;
	v56 =	vor.u32 $0x1E, v4  }
0x13b: {  	v57 =	vld.idx.msk [tilespmem:v50+s16+$0x0], $0xffff;
	v2 =	vadd.f32 v3, v2;
	v3 =	vmul.f32 v49, v48  }
0x13c: {  	v4 =	vor.u32 $0x1F, v4;
	v58 =	vld.idx.msk [tilespmem:v50+s17+$0x0], $0xffff  }
0x13d: {  	v59 =	vld.idx.msk [tilespmem:v53+s16+$0x0], $0xffff;
	v2 =	vadd.f32 v3, v2;
	v3 =	vmul.f32 v52, v51  }
0x13e: {  	v60 =	vld.idx.msk [tilespmem:v53+s17+$0x0], $0xffff  }
0x13f: {  	v61 =	vld.idx.msk [tilespmem:v56+s16+$0x0], $0xffff;
	v2 =	vadd.f32 v3, v2;
	v3 =	vmul.f32 v55, v54  }
0x140: {  	v62 =	vld.idx.msk [tilespmem:v56+s17+$0x0], $0xffff  }
0x141: {  	v63 =	vld.idx.msk [tilespmem:v4+s16+$0x0], $0xffff;
	v2 =	vadd.f32 v3, v2;
	v3 =	vmul.f32 v58, v57  }
0x142: {  	v4 =	vld.idx.msk [tilespmem:v4+s17+$0x0], $0xffff  }
0x143: {  	v2 =	vadd.f32 v3, v2;
	v3 =	vmul.f32 v60, v59;
	_ =	sdelay $0x1  }
0x144: {  	v2 =	vadd.f32 v3, v2;
	v3 =	vmul.f32 v62, v61;
	_ =	sdelay $0x1  }
0x145: {  	v2 =	vadd.f32 v3, v2;
	v3 =	vmul.f32 v4, v63;
	_ =	sdelay $0x1  }
0x146: {  	s29 =	sadd.s32 $0x1, s29;
	v2 =	vadd.f32 v3, v2  }
0x147: {  	p0 =	sne.s32 s29, s11  }
.Ltmp1:
0x148: {  	[tilespmem:v5+s26+$0x0] =	vst.idx.msk $0xffff, v2;
	(pc) =	sbr.rel @p0 .LBB2_1-.Ltmp1, $4  }
0x149: {  	[hbm4b:s10+s2] =	stream.linear.scatter [tilespmem:s26], [sflag:$0x2], $0x200, $0x38;
	[tilespmem:$0x8A10] =	vst v63  }
0x14a: {  	_ =	swait.ge [sflag:s12], $0x200  }
0x14b: {  	[sflag:s12] =	ssyncset.done $0x0  }
0x14c: {  	[sflag:s12] =	ssyncadd.s32 $0xFFFFFE00  }
0x14d: {  	_ =	sfence.sel $0x180000  }
0x14e: {  	[bflag:$0x0] =	sbarrier.arrive $0xFFFF  }
0x14f: {  	_ =	strace $0x90000047  }
0x150: {  	s0 =	stileid.u32;
	[bflag:$0x2] =	sbarrier.arrive $0xFFFF  }
0x151: {  	p0 =	sne.s32 s0, $0x0;
	s0 =	rddreg [dreg:$0x4]  }
0x152: {  	s0 =	sadd.s32 @!p0 $0x100000, s0  }
0x153: {  	[sflag:s0] =	ssyncadd.tile.s32 @!p0 $0x1;
	_ =	shalt  }
.Lfunc_end2:
_tile_overlayer_lowered:
.L_overlay_start_2:
0x154: {  	(tag) =	ssettag $0x2  }
0x155: {  	s0 =	rddreg [dreg:$0x0];
	s2 =	stileid.u32  }
0x156: {  	s1 =	rddreg [dreg:$0x1];
	p0 =	sne.s32 s2, $0x0  }
0x157: {  	s3 =	rddreg [dreg:$0x2];
	[bflag:$0x3] =	sbarrier.arrive $0xFFFF;
	s2 =	simm.s32 @!p0 $0x1C02  }
0x158: {  	[timem:s3], [sflag:s2] =	dma.local @!p0 [hbm:s0], s1  }
0x159: {  	s0 =	simm.s32 @!p0 $0x2  }
0x15a: {  	_ =	swait.ge @!p0 [sflag:s0], s1  }
0x15b: {  	s1 =	ssub.s32 @!p0 $0x0, s1;
	[sflag:s0] =	ssyncset.done @!p0 $0x0  }
0x15c: {  	[sflag:s0] =	ssyncadd.s32 @!p0 s1  }
0x15d: {  	[bflag:$0x3] =	sbarrier.arrive $0xFFFF  }
0x15e: {  	_ =	shalt  }

</sc_bundles>
